<compile_context>
chip_gen: v7x
topology: tpu7x:2x2x1
jax: 0.10.2.dev20260603
libtpu: 0.0.44.dev20260713+nightly
codegen_flags: <defaults>
</compile_context>

<pallas_src>
import functools

import jax
import jax.numpy as jnp
from jax import lax
from jax.experimental import pallas as pl
from jax.experimental.pallas import tpu as pltpu
from jax.experimental.pallas import tpu_sc as plsc

H = 1080
W = 1920
HW = H * W
N = 2_000_000

NW = 32
PER_TILE = 62528
N_PAD = NW * PER_TILE
CHUNK = 7816
NCHUNKS = PER_TILE // CHUNK

ROWS = N // 128
BLK = 512
GRID = -(-ROWS // BLK)


def _sc_gather_body(p0, p1, p2, idx_hbm, g0, g1, g2,
                    ia, a0, a1, a2, ib, b0, b1, b2,
                    sa0, sa1, sa2, sb0, sb1, sb2):
    wid = lax.axis_index("s") * 2 + lax.axis_index("c")
    base = wid * PER_TILE
    bufs = [(ia, a0, a1, a2, sa0, sa1, sa2), (ib, b0, b1, b2, sb0, sb1, sb2)]

    iv, v0, v1, v2, t0, t1, t2 = bufs[0]
    pltpu.sync_copy(idx_hbm.at[pl.ds(base, CHUNK)], iv)
    inflight = (pltpu.async_copy(p0.at[iv], v0, t0),
                pltpu.async_copy(p1.at[iv], v1, t1),
                pltpu.async_copy(p2.at[iv], v2, t2))
    for j in range(1, NCHUNKS + 1):
        if j < NCHUNKS:
            off = base + j * CHUNK
            iv, v0, v1, v2, t0, t1, t2 = bufs[j % 2]
            pltpu.sync_copy(idx_hbm.at[pl.ds(off, CHUNK)], iv)
            nxt = (pltpu.async_copy(p0.at[iv], v0, t0),
                   pltpu.async_copy(p1.at[iv], v1, t1),
                   pltpu.async_copy(p2.at[iv], v2, t2))
        poff = base + (j - 1) * CHUNK
        _, w0, w1, w2, _, _, _ = bufs[(j - 1) % 2]
        for cp in inflight:
            cp.wait()
        pltpu.sync_copy(w0, g0.at[pl.ds(poff, CHUNK)])
        pltpu.sync_copy(w1, g1.at[pl.ds(poff, CHUNK)])
        pltpu.sync_copy(w2, g2.at[pl.ds(poff, CHUNK)])
        if j < NCHUNKS:
            inflight = nxt


_sc_gather = functools.partial(
    pl.kernel,
    mesh=plsc.VectorSubcoreMesh(core_axis_name="c", subcore_axis_name="s"),
    out_type=[jax.ShapeDtypeStruct((N_PAD,), jnp.float32)] * 3,
    scratch_types=[
        pltpu.VMEM((CHUNK,), jnp.int32),
        pltpu.VMEM((CHUNK,), jnp.float32),
        pltpu.VMEM((CHUNK,), jnp.float32),
        pltpu.VMEM((CHUNK,), jnp.float32),
        pltpu.VMEM((CHUNK,), jnp.int32),
        pltpu.VMEM((CHUNK,), jnp.float32),
        pltpu.VMEM((CHUNK,), jnp.float32),
        pltpu.VMEM((CHUNK,), jnp.float32),
        pltpu.SemaphoreType.DMA,
        pltpu.SemaphoreType.DMA,
        pltpu.SemaphoreType.DMA,
        pltpu.SemaphoreType.DMA,
        pltpu.SemaphoreType.DMA,
        pltpu.SemaphoreType.DMA,
    ],
)(_sc_gather_body)


def _ew_body(c_ref, s_ref, m_ref, t_ref, dmin_ref, g0_ref, g1_ref, g2_ref,
             oldt_ref, nmax_ref, ntot_ref, nmin_ref, ncolt_ref):
    c = c_ref[...]
    m = m_ref[...]
    mask = c > m
    nmax_ref[...] = jnp.where(mask, c, m)
    ntot_ref[...] = t_ref[...] + c
    s = s_ref[...]
    d = dmin_ref[...]
    nmin_ref[...] = jnp.where(s < d, s, d)
    ncolt_ref[0] = jnp.where(mask, g0_ref[...], oldt_ref[0])
    ncolt_ref[1] = jnp.where(mask, g1_ref[...], oldt_ref[1])
    ncolt_ref[2] = jnp.where(mask, g2_ref[...], oldt_ref[2])


def _ew_call(c, s, m, t, dmin, g0, g1, g2, oldt):
    flat_spec = pl.BlockSpec((BLK, 128), lambda i: (i, 0))
    col_spec = pl.BlockSpec((3, BLK, 128), lambda i: (0, i, 0))
    return pl.pallas_call(
        _ew_body,
        grid=(GRID,),
        in_specs=[flat_spec] * 8 + [col_spec],
        out_specs=[flat_spec] * 3 + [col_spec],
        out_shape=[
            jax.ShapeDtypeStruct((ROWS, 128), jnp.float32),
            jax.ShapeDtypeStruct((ROWS, 128), jnp.float32),
            jax.ShapeDtypeStruct((ROWS, 128), jnp.float32),
            jax.ShapeDtypeStruct((3, ROWS, 128), jnp.float32),
        ],
    )(c, s, m, t, dmin, g0, g1, g2, oldt)


def kernel(colour, current_gauss_contributions, current_gauss_surface_distances,
           gaussian_max_contribution, gaussian_colours, gaussian_total_contribution,
           gaussian_min_surface_distance, current_gauss_pixels):
    planes = colour.reshape(3, HW)
    idx_pad = jnp.concatenate(
        [current_gauss_pixels,
         jnp.zeros((N_PAD - N,), dtype=jnp.int32)])
    g0, g1, g2 = _sc_gather(planes[0], planes[1], planes[2], idx_pad)

    r = lambda x: x.reshape(ROWS, 128)
    rp = lambda x: x.reshape(N_PAD // 128, 128)
    oldt = gaussian_colours.T.reshape(3, ROWS, 128)
    nmax, ntot, nmin, ncolt = _ew_call(
        r(current_gauss_contributions),
        r(current_gauss_surface_distances),
        r(gaussian_max_contribution),
        r(gaussian_total_contribution),
        r(gaussian_min_surface_distance),
        rp(g0), rp(g1), rp(g2), oldt)

    new_colours = ncolt.reshape(3, N).T
    return (nmax.reshape(N), new_colours, ntot.reshape(N), nmin.reshape(N))

# --- scband reference (transcript-rebuilt; emitter-appended) ---
"""Pipeline reference for scband-gaussian-rasterizer-17334488006825 (READ-ONLY COPY).

The authoritative reference and input builder live on the scoring server;
editing this copy changes nothing except your own understanding.
"""

import jax, jax.numpy as jnp
import numpy as np

N = 2000000
H, W = 1080, 1920

def setup_inputs(seed: int = 0) -> dict:
    key = jax.random.key(seed)
    ks = jax.random.split(key, 8)
    colour = jax.random.uniform(ks[0], (3, H, W), dtype=jnp.float32)
    current_gauss_contributions = jax.random.uniform(ks[1], (N,), dtype=jnp.float32)
    current_gauss_surface_distances = jax.random.uniform(ks[2], (N,), dtype=jnp.float32) * 10.0
    current_gauss_pixels = jax.random.randint(ks[3], (N,), 0, H * W, dtype=jnp.int32)
    gaussian_max_contribution = jax.random.uniform(ks[4], (N,), dtype=jnp.float32)
    gaussian_colours = jax.random.uniform(ks[5], (N, 3), dtype=jnp.float32)
    gaussian_total_contribution = jax.random.uniform(ks[6], (N,), dtype=jnp.float32)
    gaussian_min_surface_distance = jnp.full((N,), jnp.finfo(jnp.float32).max, dtype=jnp.float32)
    return {
        'colour': colour,
        'current_gauss_contributions': current_gauss_contributions,
        'current_gauss_surface_distances': current_gauss_surface_distances,
        'gaussian_max_contribution': gaussian_max_contribution,
        'gaussian_colours': gaussian_colours,
        'gaussian_total_contribution': gaussian_total_contribution,
        'gaussian_min_surface_distance': gaussian_min_surface_distance,
        'current_gauss_pixels': current_gauss_pixels,
    }

def reference(colour, current_gauss_contributions, current_gauss_surface_distances,
              gaussian_max_contribution, gaussian_colours, gaussian_total_contribution,
              gaussian_min_surface_distance, current_gauss_pixels):
    # colour_flat = colour.permute(1, 2, 0).contiguous().view(-1, 3)
    colour_flat = jnp.transpose(colour, (1, 2, 0)).reshape(-1, 3)
    # current_gauss_colours = colour_flat[current_gauss_pixels]  (gather)
    current_gauss_colours = jnp.take(colour_flat, current_gauss_pixels, axis=0)
    # update_max_contributions: masked scatter-overwrite of state buffers
    gaussians_to_update = current_gauss_contributions > gaussian_max_contribution
    new_max_contribution = jnp.where(gaussians_to_update, current_gauss_contributions, gaussian_max_contribution)
    new_gaussian_colours = jnp.where(gaussians_to_update[:, None], current_gauss_colours, gaussian_colours)
    new_total_contribution = gaussian_total_contribution + current_gauss_contributions
    # update_min_surface_distances
    surf_to_update = current_gauss_surface_distances < gaussian_min_surface_distance
    new_min_surface_distance = jnp.where(surf_to_update, current_gauss_surface_distances, gaussian_min_surface_distance)
    return (new_max_contribution, new_gaussian_colours, new_total_contribution, new_min_surface_distance)

if __name__ == "__main__":
    import jax
    _d = setup_inputs()
    print(jax.jit(kernel)(*tuple(_d.values())))

</pallas_src>

<mosaic_0001>
#map = affine_map<(d0, d1) -> (0)>
module attributes {stable_mosaic.version = 14 : i64} {
  func.func @_sc_gather_body(%arg0: i32, %arg1: i32, %arg2: memref<2073600xf32, #tpu.memory_space<hbm>>, %arg3: memref<2073600xf32, #tpu.memory_space<hbm>>, %arg4: memref<2073600xf32, #tpu.memory_space<hbm>>, %arg5: memref<2000896xi32, #tpu.memory_space<hbm>>, %arg6: memref<2000896xf32, #tpu.memory_space<hbm>>, %arg7: memref<2000896xf32, #tpu.memory_space<hbm>>, %arg8: memref<2000896xf32, #tpu.memory_space<hbm>>, %arg9: memref<7816xi32, #tpu.memory_space<vmem>>, %arg10: memref<7816xf32, #tpu.memory_space<vmem>>, %arg11: memref<7816xf32, #tpu.memory_space<vmem>>, %arg12: memref<7816xf32, #tpu.memory_space<vmem>>, %arg13: memref<7816xi32, #tpu.memory_space<vmem>>, %arg14: memref<7816xf32, #tpu.memory_space<vmem>>, %arg15: memref<7816xf32, #tpu.memory_space<vmem>>, %arg16: memref<7816xf32, #tpu.memory_space<vmem>>, %arg17: memref<!tpu.dma_semaphore, #tpu.memory_space<semaphore_mem>>, %arg18: memref<!tpu.dma_semaphore, #tpu.memory_space<semaphore_mem>>, %arg19: memref<!tpu.dma_semaphore, #tpu.memory_space<semaphore_mem>>, %arg20: memref<!tpu.dma_semaphore, #tpu.memory_space<semaphore_mem>>, %arg21: memref<!tpu.dma_semaphore, #tpu.memory_space<semaphore_mem>>, %arg22: memref<!tpu.dma_semaphore, #tpu.memory_space<semaphore_mem>>) attributes {dimension_semantics = [#tpu.dimension_semantics<core_parallel>, #tpu.dimension_semantics<subcore_parallel>], iteration_bounds = array<i64: 2, 16>, scalar_prefetch = 0 : i64, scratch_operands = 14 : i64, tpu.core_type = #tpu.core_type<sc_vector_subcore>, window_params = [{transform_indices = #map}, {transform_indices = #map}, {transform_indices = #map}, {transform_indices = #map}, {transform_indices = #map}, {transform_indices = #map}, {transform_indices = #map}]} {
    %mul3A = arith.constant 2 : i32
    %mul3A_0 = arith.muli %arg1, %mul3A : i32
    %add3A = arith.addi %mul3A_0, %arg0 : i32
    %mul3A_1 = arith.constant 62528 : i32
    %mul3A_2 = arith.muli %add3A, %mul3A_1 : i32
    "tpu.region"() ({
      %run_scoped3A = tpu.sem_alloc : memref<!tpu.dma_semaphore, #tpu.memory_space<semaphore_mem>>
      %dma_start3A_127 = tpu.memref_slice %arg5[%mul3A_2] : memref<2000896xi32, #tpu.memory_space<hbm>> -> memref<7816xi32, #tpu.memory_space<hbm>>
      %dma_start3A_128 = tpu.memref_slice %arg5[%mul3A_2] : memref<2000896xi32, #tpu.memory_space<hbm>> -> memref<7816xi32, #tpu.memory_space<hbm>>
      tpu.enqueue_dma source(%dma_start3A_128 : memref<7816xi32, #tpu.memory_space<hbm>>) target(%arg9 : memref<7816xi32, #tpu.memory_space<vmem>>) target_semaphore(%run_scoped3A : memref<!tpu.dma_semaphore, #tpu.memory_space<semaphore_mem>>)
      %dma_wait3A_129 = tpu.memref_slice %arg5[%mul3A_2] : memref<2000896xi32, #tpu.memory_space<hbm>> -> memref<7816xi32, #tpu.memory_space<hbm>>
      %dma_wait3A_130 = tpu.memref_slice %arg5[%mul3A_2] : memref<2000896xi32, #tpu.memory_space<hbm>> -> memref<7816xi32, #tpu.memory_space<hbm>>
      tpu.wait_dma2 semaphore(%run_scoped3A : memref<!tpu.dma_semaphore, #tpu.memory_space<semaphore_mem>>) src(%dma_wait3A_130 : memref<7816xi32, #tpu.memory_space<hbm>>) dst(%arg9 : memref<7816xi32, #tpu.memory_space<vmem>>)
      tpu.yield
    }) : () -> ()
    %dma_start3A = arith.constant 0 : i32
    %dma_start3A_3 = tpu.memref_slice %arg2[%dma_start3A] : memref<2073600xf32, #tpu.memory_space<hbm>> -> memref<2073600xf32, #tpu.memory_space<hbm>>
    tpu.enqueue_indirect_dma source(%dma_start3A_3 : memref<2073600xf32, #tpu.memory_space<hbm>>) target(%arg10 : memref<7816xf32, #tpu.memory_space<vmem>>) offsets(%arg9 : memref<7816xi32, #tpu.memory_space<vmem>>) semaphore(%arg17 : memref<!tpu.dma_semaphore, #tpu.memory_space<semaphore_mem>>)
    %dma_start3A_4 = arith.constant 0 : i32
    %dma_start3A_5 = tpu.memref_slice %arg3[%dma_start3A_4] : memref<2073600xf32, #tpu.memory_space<hbm>> -> memref<2073600xf32, #tpu.memory_space<hbm>>
    tpu.enqueue_indirect_dma source(%dma_start3A_5 : memref<2073600xf32, #tpu.memory_space<hbm>>) target(%arg11 : memref<7816xf32, #tpu.memory_space<vmem>>) offsets(%arg9 : memref<7816xi32, #tpu.memory_space<vmem>>) semaphore(%arg18 : memref<!tpu.dma_semaphore, #tpu.memory_space<semaphore_mem>>)
    %dma_start3A_6 = arith.constant 0 : i32
    %dma_start3A_7 = tpu.memref_slice %arg4[%dma_start3A_6] : memref<2073600xf32, #tpu.memory_space<hbm>> -> memref<2073600xf32, #tpu.memory_space<hbm>>
    tpu.enqueue_indirect_dma source(%dma_start3A_7 : memref<2073600xf32, #tpu.memory_space<hbm>>) target(%arg12 : memref<7816xf32, #tpu.memory_space<vmem>>) offsets(%arg9 : memref<7816xi32, #tpu.memory_space<vmem>>) semaphore(%arg19 : memref<!tpu.dma_semaphore, #tpu.memory_space<semaphore_mem>>)
    %add3A_8 = arith.constant 7816 : i32
    %add3A_9 = arith.addi %mul3A_2, %add3A_8 : i32
    "tpu.region"() ({
      %run_scoped3A = tpu.sem_alloc : memref<!tpu.dma_semaphore, #tpu.memory_space<semaphore_mem>>
      %dma_start3A_127 = tpu.memref_slice %arg5[%add3A_9] : memref<2000896xi32, #tpu.memory_space<hbm>> -> memref<7816xi32, #tpu.memory_space<hbm>>
      %dma_start3A_128 = tpu.memref_slice %arg5[%add3A_9] : memref<2000896xi32, #tpu.memory_space<hbm>> -> memref<7816xi32, #tpu.memory_space<hbm>>
      tpu.enqueue_dma source(%dma_start3A_128 : memref<7816xi32, #tpu.memory_space<hbm>>) target(%arg13 : memref<7816xi32, #tpu.memory_space<vmem>>) target_semaphore(%run_scoped3A : memref<!tpu.dma_semaphore, #tpu.memory_space<semaphore_mem>>)
      %dma_wait3A_129 = tpu.memref_slice %arg5[%add3A_9] : memref<2000896xi32, #tpu.memory_space<hbm>> -> memref<7816xi32, #tpu.memory_space<hbm>>
      %dma_wait3A_130 = tpu.memref_slice %arg5[%add3A_9] : memref<2000896xi32, #tpu.memory_space<hbm>> -> memref<7816xi32, #tpu.memory_space<hbm>>
      tpu.wait_dma2 semaphore(%run_scoped3A : memref<!tpu.dma_semaphore, #tpu.memory_space<semaphore_mem>>) src(%dma_wait3A_130 : memref<7816xi32, #tpu.memory_space<hbm>>) dst(%arg13 : memref<7816xi32, #tpu.memory_space<vmem>>)
      tpu.yield
    }) : () -> ()
    %dma_start3A_10 = arith.constant 0 : i32
    %dma_start3A_11 = tpu.memref_slice %arg2[%dma_start3A_10] : memref<2073600xf32, #tpu.memory_space<hbm>> -> memref<2073600xf32, #tpu.memory_space<hbm>>
    tpu.enqueue_indirect_dma source(%dma_start3A_11 : memref<2073600xf32, #tpu.memory_space<hbm>>) target(%arg14 : memref<7816xf32, #tpu.memory_space<vmem>>) offsets(%arg13 : memref<7816xi32, #tpu.memory_space<vmem>>) semaphore(%arg20 : memref<!tpu.dma_semaphore, #tpu.memory_space<semaphore_mem>>)
    %dma_start3A_12 = arith.constant 0 : i32
    %dma_start3A_13 = tpu.memref_slice %arg3[%dma_start3A_12] : memref<2073600xf32, #tpu.memory_space<hbm>> -> memref<2073600xf32, #tpu.memory_space<hbm>>
    tpu.enqueue_indirect_dma source(%dma_start3A_13 : memref<2073600xf32, #tpu.memory_space<hbm>>) target(%arg15 : memref<7816xf32, #tpu.memory_space<vmem>>) offsets(%arg13 : memref<7816xi32, #tpu.memory_space<vmem>>) semaphore(%arg21 : memref<!tpu.dma_semaphore, #tpu.memory_space<semaphore_mem>>)
    %dma_start3A_14 = arith.constant 0 : i32
    %dma_start3A_15 = tpu.memref_slice %arg4[%dma_start3A_14] : memref<2073600xf32, #tpu.memory_space<hbm>> -> memref<2073600xf32, #tpu.memory_space<hbm>>
    tpu.enqueue_indirect_dma source(%dma_start3A_15 : memref<2073600xf32, #tpu.memory_space<hbm>>) target(%arg16 : memref<7816xf32, #tpu.memory_space<vmem>>) offsets(%arg13 : memref<7816xi32, #tpu.memory_space<vmem>>) semaphore(%arg22 : memref<!tpu.dma_semaphore, #tpu.memory_space<semaphore_mem>>)
    %add3A_16 = arith.constant 0 : i32
    %add3A_17 = arith.addi %mul3A_2, %add3A_16 : i32
    %dma_wait3A = arith.constant 0 : i32
    %dma_wait3A_18 = tpu.memref_slice %arg2[%dma_wait3A] : memref<2073600xf32, #tpu.memory_space<hbm>> -> memref<2073600xf32, #tpu.memory_space<hbm>>
    tpu.wait_indirect_dma semaphore(%arg17 : memref<!tpu.dma_semaphore, #tpu.memory_space<semaphore_mem>>) src(%dma_wait3A_18 : memref<2073600xf32, #tpu.memory_space<hbm>>) dst(%arg10 : memref<7816xf32, #tpu.memory_space<vmem>>)
    %dma_wait3A_19 = arith.constant 0 : i32
    %dma_wait3A_20 = tpu.memref_slice %arg3[%dma_wait3A_19] : memref<2073600xf32, #tpu.memory_space<hbm>> -> memref<2073600xf32, #tpu.memory_space<hbm>>
    tpu.wait_indirect_dma semaphore(%arg18 : memref<!tpu.dma_semaphore, #tpu.memory_space<semaphore_mem>>) src(%dma_wait3A_20 : memref<2073600xf32, #tpu.memory_space<hbm>>) dst(%arg11 : memref<7816xf32, #tpu.memory_space<vmem>>)
    %dma_wait3A_21 = arith.constant 0 : i32
    %dma_wait3A_22 = tpu.memref_slice %arg4[%dma_wait3A_21] : memref<2073600xf32, #tpu.memory_space<hbm>> -> memref<2073600xf32, #tpu.memory_space<hbm>>
    tpu.wait_indirect_dma semaphore(%arg19 : memref<!tpu.dma_semaphore, #tpu.memory_space<semaphore_mem>>) src(%dma_wait3A_22 : memref<2073600xf32, #tpu.memory_space<hbm>>) dst(%arg12 : memref<7816xf32, #tpu.memory_space<vmem>>)
    "tpu.region"() ({
      %run_scoped3A = tpu.sem_alloc : memref<!tpu.dma_semaphore, #tpu.memory_space<semaphore_mem>>
      %dma_start3A_127 = tpu.memref_slice %arg6[%add3A_17] : memref<2000896xf32, #tpu.memory_space<hbm>> -> memref<7816xf32, #tpu.memory_space<hbm>>
      %dma_start3A_128 = tpu.memref_slice %arg6[%add3A_17] : memref<2000896xf32, #tpu.memory_space<hbm>> -> memref<7816xf32, #tpu.memory_space<hbm>>
      tpu.enqueue_dma source(%arg10 : memref<7816xf32, #tpu.memory_space<vmem>>) target(%dma_start3A_128 : memref<7816xf32, #tpu.memory_space<hbm>>) target_semaphore(%run_scoped3A : memref<!tpu.dma_semaphore, #tpu.memory_space<semaphore_mem>>)
      %dma_wait3A_129 = tpu.memref_slice %arg6[%add3A_17] : memref<2000896xf32, #tpu.memory_space<hbm>> -> memref<7816xf32, #tpu.memory_space<hbm>>
      %dma_wait3A_130 = tpu.memref_slice %arg6[%add3A_17] : memref<2000896xf32, #tpu.memory_space<hbm>> -> memref<7816xf32, #tpu.memory_space<hbm>>
      tpu.wait_dma2 semaphore(%run_scoped3A : memref<!tpu.dma_semaphore, #tpu.memory_space<semaphore_mem>>) src(%arg10 : memref<7816xf32, #tpu.memory_space<vmem>>) dst(%dma_wait3A_130 : memref<7816xf32, #tpu.memory_space<hbm>>)
      tpu.yield
    }) : () -> ()
    "tpu.region"() ({
      %run_scoped3A = tpu.sem_alloc : memref<!tpu.dma_semaphore, #tpu.memory_space<semaphore_mem>>
      %dma_start3A_127 = tpu.memref_slice %arg7[%add3A_17] : memref<2000896xf32, #tpu.memory_space<hbm>> -> memref<7816xf32, #tpu.memory_space<hbm>>
      %dma_start3A_128 = tpu.memref_slice %arg7[%add3A_17] : memref<2000896xf32, #tpu.memory_space<hbm>> -> memref<7816xf32, #tpu.memory_space<hbm>>
      tpu.enqueue_dma source(%arg11 : memref<7816xf32, #tpu.memory_space<vmem>>) target(%dma_start3A_128 : memref<7816xf32, #tpu.memory_space<hbm>>) target_semaphore(%run_scoped3A : memref<!tpu.dma_semaphore, #tpu.memory_space<semaphore_mem>>)
      %dma_wait3A_129 = tpu.memref_slice %arg7[%add3A_17] : memref<2000896xf32, #tpu.memory_space<hbm>> -> memref<7816xf32, #tpu.memory_space<hbm>>
      %dma_wait3A_130 = tpu.memref_slice %arg7[%add3A_17] : memref<2000896xf32, #tpu.memory_space<hbm>> -> memref<7816xf32, #tpu.memory_space<hbm>>
      tpu.wait_dma2 semaphore(%run_scoped3A : memref<!tpu.dma_semaphore, #tpu.memory_space<semaphore_mem>>) src(%arg11 : memref<7816xf32, #tpu.memory_space<vmem>>) dst(%dma_wait3A_130 : memref<7816xf32, #tpu.memory_space<hbm>>)
      tpu.yield
    }) : () -> ()
    "tpu.region"() ({
      %run_scoped3A = tpu.sem_alloc : memref<!tpu.dma_semaphore, #tpu.memory_space<semaphore_mem>>
      %dma_start3A_127 = tpu.memref_slice %arg8[%add3A_17] : memref<2000896xf32, #tpu.memory_space<hbm>> -> memref<7816xf32, #tpu.memory_space<hbm>>
      %dma_start3A_128 = tpu.memref_slice %arg8[%add3A_17] : memref<2000896xf32, #tpu.memory_space<hbm>> -> memref<7816xf32, #tpu.memory_space<hbm>>
      tpu.enqueue_dma source(%arg12 : memref<7816xf32, #tpu.memory_space<vmem>>) target(%dma_start3A_128 : memref<7816xf32, #tpu.memory_space<hbm>>) target_semaphore(%run_scoped3A : memref<!tpu.dma_semaphore, #tpu.memory_space<semaphore_mem>>)
      %dma_wait3A_129 = tpu.memref_slice %arg8[%add3A_17] : memref<2000896xf32, #tpu.memory_space<hbm>> -> memref<7816xf32, #tpu.memory_space<hbm>>
      %dma_wait3A_130 = tpu.memref_slice %arg8[%add3A_17] : memref<2000896xf32, #tpu.memory_space<hbm>> -> memref<7816xf32, #tpu.memory_space<hbm>>
      tpu.wait_dma2 semaphore(%run_scoped3A : memref<!tpu.dma_semaphore, #tpu.memory_space<semaphore_mem>>) src(%arg12 : memref<7816xf32, #tpu.memory_space<vmem>>) dst(%dma_wait3A_130 : memref<7816xf32, #tpu.memory_space<hbm>>)
      tpu.yield
    }) : () -> ()
    %add3A_23 = arith.constant 15632 : i32
    %add3A_24 = arith.addi %mul3A_2, %add3A_23 : i32
    "tpu.region"() ({
      %run_scoped3A = tpu.sem_alloc : memref<!tpu.dma_semaphore, #tpu.memory_space<semaphore_mem>>
      %dma_start3A_127 = tpu.memref_slice %arg5[%add3A_24] : memref<2000896xi32, #tpu.memory_space<hbm>> -> memref<7816xi32, #tpu.memory_space<hbm>>
      %dma_start3A_128 = tpu.memref_slice %arg5[%add3A_24] : memref<2000896xi32, #tpu.memory_space<hbm>> -> memref<7816xi32, #tpu.memory_space<hbm>>
      tpu.enqueue_dma source(%dma_start3A_128 : memref<7816xi32, #tpu.memory_space<hbm>>) target(%arg9 : memref<7816xi32, #tpu.memory_space<vmem>>) target_semaphore(%run_scoped3A : memref<!tpu.dma_semaphore, #tpu.memory_space<semaphore_mem>>)
      %dma_wait3A_129 = tpu.memref_slice %arg5[%add3A_24] : memref<2000896xi32, #tpu.memory_space<hbm>> -> memref<7816xi32, #tpu.memory_space<hbm>>
      %dma_wait3A_130 = tpu.memref_slice %arg5[%add3A_24] : memref<2000896xi32, #tpu.memory_space<hbm>> -> memref<7816xi32, #tpu.memory_space<hbm>>
      tpu.wait_dma2 semaphore(%run_scoped3A : memref<!tpu.dma_semaphore, #tpu.memory_space<semaphore_mem>>) src(%dma_wait3A_130 : memref<7816xi32, #tpu.memory_space<hbm>>) dst(%arg9 : memref<7816xi32, #tpu.memory_space<vmem>>)
      tpu.yield
    }) : () -> ()
    %dma_start3A_25 = arith.constant 0 : i32
    %dma_start3A_26 = tpu.memref_slice %arg2[%dma_start3A_25] : memref<2073600xf32, #tpu.memory_space<hbm>> -> memref<2073600xf32, #tpu.memory_space<hbm>>
    tpu.enqueue_indirect_dma source(%dma_start3A_26 : memref<2073600xf32, #tpu.memory_space<hbm>>) target(%arg10 : memref<7816xf32, #tpu.memory_space<vmem>>) offsets(%arg9 : memref<7816xi32, #tpu.memory_space<vmem>>) semaphore(%arg17 : memref<!tpu.dma_semaphore, #tpu.memory_space<semaphore_mem>>)
    %dma_start3A_27 = arith.constant 0 : i32
    %dma_start3A_28 = tpu.memref_slice %arg3[%dma_start3A_27] : memref<2073600xf32, #tpu.memory_space<hbm>> -> memref<2073600xf32, #tpu.memory_space<hbm>>
    tpu.enqueue_indirect_dma source(%dma_start3A_28 : memref<2073600xf32, #tpu.memory_space<hbm>>) target(%arg11 : memref<7816xf32, #tpu.memory_space<vmem>>) offsets(%arg9 : memref<7816xi32, #tpu.memory_space<vmem>>) semaphore(%arg18 : memref<!tpu.dma_semaphore, #tpu.memory_space<semaphore_mem>>)
    %dma_start3A_29 = arith.constant 0 : i32
    %dma_start3A_30 = tpu.memref_slice %arg4[%dma_start3A_29] : memref<2073600xf32, #tpu.memory_space<hbm>> -> memref<2073600xf32, #tpu.memory_space<hbm>>
    tpu.enqueue_indirect_dma source(%dma_start3A_30 : memref<2073600xf32, #tpu.memory_space<hbm>>) target(%arg12 : memref<7816xf32, #tpu.memory_space<vmem>>) offsets(%arg9 : memref<7816xi32, #tpu.memory_space<vmem>>) semaphore(%arg19 : memref<!tpu.dma_semaphore, #tpu.memory_space<semaphore_mem>>)
    %add3A_31 = arith.constant 7816 : i32
    %add3A_32 = arith.addi %mul3A_2, %add3A_31 : i32
    %dma_wait3A_33 = arith.constant 0 : i32
    %dma_wait3A_34 = tpu.memref_slice %arg2[%dma_wait3A_33] : memref<2073600xf32, #tpu.memory_space<hbm>> -> memref<2073600xf32, #tpu.memory_space<hbm>>
    tpu.wait_indirect_dma semaphore(%arg20 : memref<!tpu.dma_semaphore, #tpu.memory_space<semaphore_mem>>) src(%dma_wait3A_34 : memref<2073600xf32, #tpu.memory_space<hbm>>) dst(%arg14 : memref<7816xf32, #tpu.memory_space<vmem>>)
    %dma_wait3A_35 = arith.constant 0 : i32
    %dma_wait3A_36 = tpu.memref_slice %arg3[%dma_wait3A_35] : memref<2073600xf32, #tpu.memory_space<hbm>> -> memref<2073600xf32, #tpu.memory_space<hbm>>
    tpu.wait_indirect_dma semaphore(%arg21 : memref<!tpu.dma_semaphore, #tpu.memory_space<semaphore_mem>>) src(%dma_wait3A_36 : memref<2073600xf32, #tpu.memory_space<hbm>>) dst(%arg15 : memref<7816xf32, #tpu.memory_space<vmem>>)
    %dma_wait3A_37 = arith.constant 0 : i32
    %dma_wait3A_38 = tpu.memref_slice %arg4[%dma_wait3A_37] : memref<2073600xf32, #tpu.memory_space<hbm>> -> memref<2073600xf32, #tpu.memory_space<hbm>>
    tpu.wait_indirect_dma semaphore(%arg22 : memref<!tpu.dma_semaphore, #tpu.memory_space<semaphore_mem>>) src(%dma_wait3A_38 : memref<2073600xf32, #tpu.memory_space<hbm>>) dst(%arg16 : memref<7816xf32, #tpu.memory_space<vmem>>)
    "tpu.region"() ({
      %run_scoped3A = tpu.sem_alloc : memref<!tpu.dma_semaphore, #tpu.memory_space<semaphore_mem>>
      %dma_start3A_127 = tpu.memref_slice %arg6[%add3A_32] : memref<2000896xf32, #tpu.memory_space<hbm>> -> memref<7816xf32, #tpu.memory_space<hbm>>
      %dma_start3A_128 = tpu.memref_slice %arg6[%add3A_32] : memref<2000896xf32, #tpu.memory_space<hbm>> -> memref<7816xf32, #tpu.memory_space<hbm>>
      tpu.enqueue_dma source(%arg14 : memref<7816xf32, #tpu.memory_space<vmem>>) target(%dma_start3A_128 : memref<7816xf32, #tpu.memory_space<hbm>>) target_semaphore(%run_scoped3A : memref<!tpu.dma_semaphore, #tpu.memory_space<semaphore_mem>>)
      %dma_wait3A_129 = tpu.memref_slice %arg6[%add3A_32] : memref<2000896xf32, #tpu.memory_space<hbm>> -> memref<7816xf32, #tpu.memory_space<hbm>>
      %dma_wait3A_130 = tpu.memref_slice %arg6[%add3A_32] : memref<2000896xf32, #tpu.memory_space<hbm>> -> memref<7816xf32, #tpu.memory_space<hbm>>
      tpu.wait_dma2 semaphore(%run_scoped3A : memref<!tpu.dma_semaphore, #tpu.memory_space<semaphore_mem>>) src(%arg14 : memref<7816xf32, #tpu.memory_space<vmem>>) dst(%dma_wait3A_130 : memref<7816xf32, #tpu.memory_space<hbm>>)
      tpu.yield
    }) : () -> ()
    "tpu.region"() ({
      %run_scoped3A = tpu.sem_alloc : memref<!tpu.dma_semaphore, #tpu.memory_space<semaphore_mem>>
      %dma_start3A_127 = tpu.memref_slice %arg7[%add3A_32] : memref<2000896xf32, #tpu.memory_space<hbm>> -> memref<7816xf32, #tpu.memory_space<hbm>>
      %dma_start3A_128 = tpu.memref_slice %arg7[%add3A_32] : memref<2000896xf32, #tpu.memory_space<hbm>> -> memref<7816xf32, #tpu.memory_space<hbm>>
      tpu.enqueue_dma source(%arg15 : memref<7816xf32, #tpu.memory_space<vmem>>) target(%dma_start3A_128 : memref<7816xf32, #tpu.memory_space<hbm>>) target_semaphore(%run_scoped3A : memref<!tpu.dma_semaphore, #tpu.memory_space<semaphore_mem>>)
      %dma_wait3A_129 = tpu.memref_slice %arg7[%add3A_32] : memref<2000896xf32, #tpu.memory_space<hbm>> -> memref<7816xf32, #tpu.memory_space<hbm>>
      %dma_wait3A_130 = tpu.memref_slice %arg7[%add3A_32] : memref<2000896xf32, #tpu.memory_space<hbm>> -> memref<7816xf32, #tpu.memory_space<hbm>>
      tpu.wait_dma2 semaphore(%run_scoped3A : memref<!tpu.dma_semaphore, #tpu.memory_space<semaphore_mem>>) src(%arg15 : memref<7816xf32, #tpu.memory_space<vmem>>) dst(%dma_wait3A_130 : memref<7816xf32, #tpu.memory_space<hbm>>)
      tpu.yield
    }) : () -> ()
    "tpu.region"() ({
      %run_scoped3A = tpu.sem_alloc : memref<!tpu.dma_semaphore, #tpu.memory_space<semaphore_mem>>
      %dma_start3A_127 = tpu.memref_slice %arg8[%add3A_32] : memref<2000896xf32, #tpu.memory_space<hbm>> -> memref<7816xf32, #tpu.memory_space<hbm>>
      %dma_start3A_128 = tpu.memref_slice %arg8[%add3A_32] : memref<2000896xf32, #tpu.memory_space<hbm>> -> memref<7816xf32, #tpu.memory_space<hbm>>
      tpu.enqueue_dma source(%arg16 : memref<7816xf32, #tpu.memory_space<vmem>>) target(%dma_start3A_128 : memref<7816xf32, #tpu.memory_space<hbm>>) target_semaphore(%run_scoped3A : memref<!tpu.dma_semaphore, #tpu.memory_space<semaphore_mem>>)
      %dma_wait3A_129 = tpu.memref_slice %arg8[%add3A_32] : memref<2000896xf32, #tpu.memory_space<hbm>> -> memref<7816xf32, #tpu.memory_space<hbm>>
      %dma_wait3A_130 = tpu.memref_slice %arg8[%add3A_32] : memref<2000896xf32, #tpu.memory_space<hbm>> -> memref<7816xf32, #tpu.memory_space<hbm>>
      tpu.wait_dma2 semaphore(%run_scoped3A : memref<!tpu.dma_semaphore, #tpu.memory_space<semaphore_mem>>) src(%arg16 : memref<7816xf32, #tpu.memory_space<vmem>>) dst(%dma_wait3A_130 : memref<7816xf32, #tpu.memory_space<hbm>>)
      tpu.yield
    }) : () -> ()
    %add3A_39 = arith.constant 23448 : i32
    %add3A_40 = arith.addi %mul3A_2, %add3A_39 : i32
    "tpu.region"() ({
      %run_scoped3A = tpu.sem_alloc : memref<!tpu.dma_semaphore, #tpu.memory_space<semaphore_mem>>
      %dma_start3A_127 = tpu.memref_slice %arg5[%add3A_40] : memref<2000896xi32, #tpu.memory_space<hbm>> -> memref<7816xi32, #tpu.memory_space<hbm>>
      %dma_start3A_128 = tpu.memref_slice %arg5[%add3A_40] : memref<2000896xi32, #tpu.memory_space<hbm>> -> memref<7816xi32, #tpu.memory_space<hbm>>
      tpu.enqueue_dma source(%dma_start3A_128 : memref<7816xi32, #tpu.memory_space<hbm>>) target(%arg13 : memref<7816xi32, #tpu.memory_space<vmem>>) target_semaphore(%run_scoped3A : memref<!tpu.dma_semaphore, #tpu.memory_space<semaphore_mem>>)
      %dma_wait3A_129 = tpu.memref_slice %arg5[%add3A_40] : memref<2000896xi32, #tpu.memory_space<hbm>> -> memref<7816xi32, #tpu.memory_space<hbm>>
      %dma_wait3A_130 = tpu.memref_slice %arg5[%add3A_40] : memref<2000896xi32, #tpu.memory_space<hbm>> -> memref<7816xi32, #tpu.memory_space<hbm>>
      tpu.wait_dma2 semaphore(%run_scoped3A : memref<!tpu.dma_semaphore, #tpu.memory_space<semaphore_mem>>) src(%dma_wait3A_130 : memref<7816xi32, #tpu.memory_space<hbm>>) dst(%arg13 : memref<7816xi32, #tpu.memory_space<vmem>>)
      tpu.yield
    }) : () -> ()
    %dma_start3A_41 = arith.constant 0 : i32
    %dma_start3A_42 = tpu.memref_slice %arg2[%dma_start3A_41] : memref<2073600xf32, #tpu.memory_space<hbm>> -> memref<2073600xf32, #tpu.memory_space<hbm>>
    tpu.enqueue_indirect_dma source(%dma_start3A_42 : memref<2073600xf32, #tpu.memory_space<hbm>>) target(%arg14 : memref<7816xf32, #tpu.memory_space<vmem>>) offsets(%arg13 : memref<7816xi32, #tpu.memory_space<vmem>>) semaphore(%arg20 : memref<!tpu.dma_semaphore, #tpu.memory_space<semaphore_mem>>)
    %dma_start3A_43 = arith.constant 0 : i32
    %dma_start3A_44 = tpu.memref_slice %arg3[%dma_start3A_43] : memref<2073600xf32, #tpu.memory_space<hbm>> -> memref<2073600xf32, #tpu.memory_space<hbm>>
    tpu.enqueue_indirect_dma source(%dma_start3A_44 : memref<2073600xf32, #tpu.memory_space<hbm>>) target(%arg15 : memref<7816xf32, #tpu.memory_space<vmem>>) offsets(%arg13 : memref<7816xi32, #tpu.memory_space<vmem>>) semaphore(%arg21 : memref<!tpu.dma_semaphore, #tpu.memory_space<semaphore_mem>>)
    %dma_start3A_45 = arith.constant 0 : i32
    %dma_start3A_46 = tpu.memref_slice %arg4[%dma_start3A_45] : memref<2073600xf32, #tpu.memory_space<hbm>> -> memref<2073600xf32, #tpu.memory_space<hbm>>
    tpu.enqueue_indirect_dma source(%dma_start3A_46 : memref<2073600xf32, #tpu.memory_space<hbm>>) target(%arg16 : memref<7816xf32, #tpu.memory_space<vmem>>) offsets(%arg13 : memref<7816xi32, #tpu.memory_space<vmem>>) semaphore(%arg22 : memref<!tpu.dma_semaphore, #tpu.memory_space<semaphore_mem>>)
    %add3A_47 = arith.constant 15632 : i32
    %add3A_48 = arith.addi %mul3A_2, %add3A_47 : i32
    %dma_wait3A_49 = arith.constant 0 : i32
    %dma_wait3A_50 = tpu.memref_slice %arg2[%dma_wait3A_49] : memref<2073600xf32, #tpu.memory_space<hbm>> -> memref<2073600xf32, #tpu.memory_space<hbm>>
    tpu.wait_indirect_dma semaphore(%arg17 : memref<!tpu.dma_semaphore, #tpu.memory_space<semaphore_mem>>) src(%dma_wait3A_50 : memref<2073600xf32, #tpu.memory_space<hbm>>) dst(%arg10 : memref<7816xf32, #tpu.memory_space<vmem>>)
    %dma_wait3A_51 = arith.constant 0 : i32
    %dma_wait3A_52 = tpu.memref_slice %arg3[%dma_wait3A_51] : memref<2073600xf32, #tpu.memory_space<hbm>> -> memref<2073600xf32, #tpu.memory_space<hbm>>
    tpu.wait_indirect_dma semaphore(%arg18 : memref<!tpu.dma_semaphore, #tpu.memory_space<semaphore_mem>>) src(%dma_wait3A_52 : memref<2073600xf32, #tpu.memory_space<hbm>>) dst(%arg11 : memref<7816xf32, #tpu.memory_space<vmem>>)
    %dma_wait3A_53 = arith.constant 0 : i32
    %dma_wait3A_54 = tpu.memref_slice %arg4[%dma_wait3A_53] : memref<2073600xf32, #tpu.memory_space<hbm>> -> memref<2073600xf32, #tpu.memory_space<hbm>>
    tpu.wait_indirect_dma semaphore(%arg19 : memref<!tpu.dma_semaphore, #tpu.memory_space<semaphore_mem>>) src(%dma_wait3A_54 : memref<2073600xf32, #tpu.memory_space<hbm>>) dst(%arg12 : memref<7816xf32, #tpu.memory_space<vmem>>)
    "tpu.region"() ({
      %run_scoped3A = tpu.sem_alloc : memref<!tpu.dma_semaphore, #tpu.memory_space<semaphore_mem>>
      %dma_start3A_127 = tpu.memref_slice %arg6[%add3A_48] : memref<2000896xf32, #tpu.memory_space<hbm>> -> memref<7816xf32, #tpu.memory_space<hbm>>
      %dma_start3A_128 = tpu.memref_slice %arg6[%add3A_48] : memref<2000896xf32, #tpu.memory_space<hbm>> -> memref<7816xf32, #tpu.memory_space<hbm>>
      tpu.enqueue_dma source(%arg10 : memref<7816xf32, #tpu.memory_space<vmem>>) target(%dma_start3A_128 : memref<7816xf32, #tpu.memory_space<hbm>>) target_semaphore(%run_scoped3A : memref<!tpu.dma_semaphore, #tpu.memory_space<semaphore_mem>>)
      %dma_wait3A_129 = tpu.memref_slice %arg6[%add3A_48] : memref<2000896xf32, #tpu.memory_space<hbm>> -> memref<7816xf32, #tpu.memory_space<hbm>>
      %dma_wait3A_130 = tpu.memref_slice %arg6[%add3A_48] : memref<2000896xf32, #tpu.memory_space<hbm>> -> memref<7816xf32, #tpu.memory_space<hbm>>
      tpu.wait_dma2 semaphore(%run_scoped3A : memref<!tpu.dma_semaphore, #tpu.memory_space<semaphore_mem>>) src(%arg10 : memref<7816xf32, #tpu.memory_space<vmem>>) dst(%dma_wait3A_130 : memref<7816xf32, #tpu.memory_space<hbm>>)
      tpu.yield
    }) : () -> ()
    "tpu.region"() ({
      %run_scoped3A = tpu.sem_alloc : memref<!tpu.dma_semaphore, #tpu.memory_space<semaphore_mem>>
      %dma_start3A_127 = tpu.memref_slice %arg7[%add3A_48] : memref<2000896xf32, #tpu.memory_space<hbm>> -> memref<7816xf32, #tpu.memory_space<hbm>>
      %dma_start3A_128 = tpu.memref_slice %arg7[%add3A_48] : memref<2000896xf32, #tpu.memory_space<hbm>> -> memref<7816xf32, #tpu.memory_space<hbm>>
      tpu.enqueue_dma source(%arg11 : memref<7816xf32, #tpu.memory_space<vmem>>) target(%dma_start3A_128 : memref<7816xf32, #tpu.memory_space<hbm>>) target_semaphore(%run_scoped3A : memref<!tpu.dma_semaphore, #tpu.memory_space<semaphore_mem>>)
      %dma_wait3A_129 = tpu.memref_slice %arg7[%add3A_48] : memref<2000896xf32, #tpu.memory_space<hbm>> -> memref<7816xf32, #tpu.memory_space<hbm>>
      %dma_wait3A_130 = tpu.memref_slice %arg7[%add3A_48] : memref<2000896xf32, #tpu.memory_space<hbm>> -> memref<7816xf32, #tpu.memory_space<hbm>>
      tpu.wait_dma2 semaphore(%run_scoped3A : memref<!tpu.dma_semaphore, #tpu.memory_space<semaphore_mem>>) src(%arg11 : memref<7816xf32, #tpu.memory_space<vmem>>) dst(%dma_wait3A_130 : memref<7816xf32, #tpu.memory_space<hbm>>)
      tpu.yield
    }) : () -> ()
    "tpu.region"() ({
      %run_scoped3A = tpu.sem_alloc : memref<!tpu.dma_semaphore, #tpu.memory_space<semaphore_mem>>
      %dma_start3A_127 = tpu.memref_slice %arg8[%add3A_48] : memref<2000896xf32, #tpu.memory_space<hbm>> -> memref<7816xf32, #tpu.memory_space<hbm>>
      %dma_start3A_128 = tpu.memref_slice %arg8[%add3A_48] : memref<2000896xf32, #tpu.memory_space<hbm>> -> memref<7816xf32, #tpu.memory_space<hbm>>
      tpu.enqueue_dma source(%arg12 : memref<7816xf32, #tpu.memory_space<vmem>>) target(%dma_start3A_128 : memref<7816xf32, #tpu.memory_space<hbm>>) target_semaphore(%run_scoped3A : memref<!tpu.dma_semaphore, #tpu.memory_space<semaphore_mem>>)
      %dma_wait3A_129 = tpu.memref_slice %arg8[%add3A_48] : memref<2000896xf32, #tpu.memory_space<hbm>> -> memref<7816xf32, #tpu.memory_space<hbm>>
      %dma_wait3A_130 = tpu.memref_slice %arg8[%add3A_48] : memref<2000896xf32, #tpu.memory_space<hbm>> -> memref<7816xf32, #tpu.memory_space<hbm>>
      tpu.wait_dma2 semaphore(%run_scoped3A : memref<!tpu.dma_semaphore, #tpu.memory_space<semaphore_mem>>) src(%arg12 : memref<7816xf32, #tpu.memory_space<vmem>>) dst(%dma_wait3A_130 : memref<7816xf32, #tpu.memory_space<hbm>>)
      tpu.yield
    }) : () -> ()
    %add3A_55 = arith.constant 31264 : i32
    %add3A_56 = arith.addi %mul3A_2, %add3A_55 : i32
    "tpu.region"() ({
      %run_scoped3A = tpu.sem_alloc : memref<!tpu.dma_semaphore, #tpu.memory_space<semaphore_mem>>
      %dma_start3A_127 = tpu.memref_slice %arg5[%add3A_56] : memref<2000896xi32, #tpu.memory_space<hbm>> -> memref<7816xi32, #tpu.memory_space<hbm>>
      %dma_start3A_128 = tpu.memref_slice %arg5[%add3A_56] : memref<2000896xi32, #tpu.memory_space<hbm>> -> memref<7816xi32, #tpu.memory_space<hbm>>
      tpu.enqueue_dma source(%dma_start3A_128 : memref<7816xi32, #tpu.memory_space<hbm>>) target(%arg9 : memref<7816xi32, #tpu.memory_space<vmem>>) target_semaphore(%run_scoped3A : memref<!tpu.dma_semaphore, #tpu.memory_space<semaphore_mem>>)
      %dma_wait3A_129 = tpu.memref_slice %arg5[%add3A_56] : memref<2000896xi32, #tpu.memory_space<hbm>> -> memref<7816xi32, #tpu.memory_space<hbm>>
      %dma_wait3A_130 = tpu.memref_slice %arg5[%add3A_56] : memref<2000896xi32, #tpu.memory_space<hbm>> -> memref<7816xi32, #tpu.memory_space<hbm>>
      tpu.wait_dma2 semaphore(%run_scoped3A : memref<!tpu.dma_semaphore, #tpu.memory_space<semaphore_mem>>) src(%dma_wait3A_130 : memref<7816xi32, #tpu.memory_space<hbm>>) dst(%arg9 : memref<7816xi32, #tpu.memory_space<vmem>>)
      tpu.yield
    }) : () -> ()
    %dma_start3A_57 = arith.constant 0 : i32
    %dma_start3A_58 = tpu.memref_slice %arg2[%dma_start3A_57] : memref<2073600xf32, #tpu.memory_space<hbm>> -> memref<2073600xf32, #tpu.memory_space<hbm>>
    tpu.enqueue_indirect_dma source(%dma_start3A_58 : memref<2073600xf32, #tpu.memory_space<hbm>>) target(%arg10 : memref<7816xf32, #tpu.memory_space<vmem>>) offsets(%arg9 : memref<7816xi32, #tpu.memory_space<vmem>>) semaphore(%arg17 : memref<!tpu.dma_semaphore, #tpu.memory_space<semaphore_mem>>)
    %dma_start3A_59 = arith.constant 0 : i32
    %dma_start3A_60 = tpu.memref_slice %arg3[%dma_start3A_59] : memref<2073600xf32, #tpu.memory_space<hbm>> -> memref<2073600xf32, #tpu.memory_space<hbm>>
    tpu.enqueue_indirect_dma source(%dma_start3A_60 : memref<2073600xf32, #tpu.memory_space<hbm>>) target(%arg11 : memref<7816xf32, #tpu.memory_space<vmem>>) offsets(%arg9 : memref<7816xi32, #tpu.memory_space<vmem>>) semaphore(%arg18 : memref<!tpu.dma_semaphore, #tpu.memory_space<semaphore_mem>>)
    %dma_start3A_61 = arith.constant 0 : i32
    %dma_start3A_62 = tpu.memref_slice %arg4[%dma_start3A_61] : memref<2073600xf32, #tpu.memory_space<hbm>> -> memref<2073600xf32, #tpu.memory_space<hbm>>
    tpu.enqueue_indirect_dma source(%dma_start3A_62 : memref<2073600xf32, #tpu.memory_space<hbm>>) target(%arg12 : memref<7816xf32, #tpu.memory_space<vmem>>) offsets(%arg9 : memref<7816xi32, #tpu.memory_space<vmem>>) semaphore(%arg19 : memref<!tpu.dma_semaphore, #tpu.memory_space<semaphore_mem>>)
    %add3A_63 = arith.constant 23448 : i32
    %add3A_64 = arith.addi %mul3A_2, %add3A_63 : i32
    %dma_wait3A_65 = arith.constant 0 : i32
    %dma_wait3A_66 = tpu.memref_slice %arg2[%dma_wait3A_65] : memref<2073600xf32, #tpu.memory_space<hbm>> -> memref<2073600xf32, #tpu.memory_space<hbm>>
    tpu.wait_indirect_dma semaphore(%arg20 : memref<!tpu.dma_semaphore, #tpu.memory_space<semaphore_mem>>) src(%dma_wait3A_66 : memref<2073600xf32, #tpu.memory_space<hbm>>) dst(%arg14 : memref<7816xf32, #tpu.memory_space<vmem>>)
    %dma_wait3A_67 = arith.constant 0 : i32
    %dma_wait3A_68 = tpu.memref_slice %arg3[%dma_wait3A_67] : memref<2073600xf32, #tpu.memory_space<hbm>> -> memref<2073600xf32, #tpu.memory_space<hbm>>
    tpu.wait_indirect_dma semaphore(%arg21 : memref<!tpu.dma_semaphore, #tpu.memory_space<semaphore_mem>>) src(%dma_wait3A_68 : memref<2073600xf32, #tpu.memory_space<hbm>>) dst(%arg15 : memref<7816xf32, #tpu.memory_space<vmem>>)
    %dma_wait3A_69 = arith.constant 0 : i32
    %dma_wait3A_70 = tpu.memref_slice %arg4[%dma_wait3A_69] : memref<2073600xf32, #tpu.memory_space<hbm>> -> memref<2073600xf32, #tpu.memory_space<hbm>>
    tpu.wait_indirect_dma semaphore(%arg22 : memref<!tpu.dma_semaphore, #tpu.memory_space<semaphore_mem>>) src(%dma_wait3A_70 : memref<2073600xf32, #tpu.memory_space<hbm>>) dst(%arg16 : memref<7816xf32, #tpu.memory_space<vmem>>)
    "tpu.region"() ({
      %run_scoped3A = tpu.sem_alloc : memref<!tpu.dma_semaphore, #tpu.memory_space<semaphore_mem>>
      %dma_start3A_127 = tpu.memref_slice %arg6[%add3A_64] : memref<2000896xf32, #tpu.memory_space<hbm>> -> memref<7816xf32, #tpu.memory_space<hbm>>
      %dma_start3A_128 = tpu.memref_slice %arg6[%add3A_64] : memref<2000896xf32, #tpu.memory_space<hbm>> -> memref<7816xf32, #tpu.memory_space<hbm>>
      tpu.enqueue_dma source(%arg14 : memref<7816xf32, #tpu.memory_space<vmem>>) target(%dma_start3A_128 : memref<7816xf32, #tpu.memory_space<hbm>>) target_semaphore(%run_scoped3A : memref<!tpu.dma_semaphore, #tpu.memory_space<semaphore_mem>>)
      %dma_wait3A_129 = tpu.memref_slice %arg6[%add3A_64] : memref<2000896xf32, #tpu.memory_space<hbm>> -> memref<7816xf32, #tpu.memory_space<hbm>>
      %dma_wait3A_130 = tpu.memref_slice %arg6[%add3A_64] : memref<2000896xf32, #tpu.memory_space<hbm>> -> memref<7816xf32, #tpu.memory_space<hbm>>
      tpu.wait_dma2 semaphore(%run_scoped3A : memref<!tpu.dma_semaphore, #tpu.memory_space<semaphore_mem>>) src(%arg14 : memref<7816xf32, #tpu.memory_space<vmem>>) dst(%dma_wait3A_130 : memref<7816xf32, #tpu.memory_space<hbm>>)
      tpu.yield
    }) : () -> ()
    "tpu.region"() ({
      %run_scoped3A = tpu.sem_alloc : memref<!tpu.dma_semaphore, #tpu.memory_space<semaphore_mem>>
      %dma_start3A_127 = tpu.memref_slice %arg7[%add3A_64] : memref<2000896xf32, #tpu.memory_space<hbm>> -> memref<7816xf32, #tpu.memory_space<hbm>>
      %dma_start3A_128 = tpu.memref_slice %arg7[%add3A_64] : memref<2000896xf32, #tpu.memory_space<hbm>> -> memref<7816xf32, #tpu.memory_space<hbm>>
      tpu.enqueue_dma source(%arg15 : memref<7816xf32, #tpu.memory_space<vmem>>) target(%dma_start3A_128 : memref<7816xf32, #tpu.memory_space<hbm>>) target_semaphore(%run_scoped3A : memref<!tpu.dma_semaphore, #tpu.memory_space<semaphore_mem>>)
      %dma_wait3A_129 = tpu.memref_slice %arg7[%add3A_64] : memref<2000896xf32, #tpu.memory_space<hbm>> -> memref<7816xf32, #tpu.memory_space<hbm>>
      %dma_wait3A_130 = tpu.memref_slice %arg7[%add3A_64] : memref<2000896xf32, #tpu.memory_space<hbm>> -> memref<7816xf32, #tpu.memory_space<hbm>>
      tpu.wait_dma2 semaphore(%run_scoped3A : memref<!tpu.dma_semaphore, #tpu.memory_space<semaphore_mem>>) src(%arg15 : memref<7816xf32, #tpu.memory_space<vmem>>) dst(%dma_wait3A_130 : memref<7816xf32, #tpu.memory_space<hbm>>)
      tpu.yield
    }) : () -> ()
    "tpu.region"() ({
      %run_scoped3A = tpu.sem_alloc : memref<!tpu.dma_semaphore, #tpu.memory_space<semaphore_mem>>
      %dma_start3A_127 = tpu.memref_slice %arg8[%add3A_64] : memref<2000896xf32, #tpu.memory_space<hbm>> -> memref<7816xf32, #tpu.memory_space<hbm>>
      %dma_start3A_128 = tpu.memref_slice %arg8[%add3A_64] : memref<2000896xf32, #tpu.memory_space<hbm>> -> memref<7816xf32, #tpu.memory_space<hbm>>
      tpu.enqueue_dma source(%arg16 : memref<7816xf32, #tpu.memory_space<vmem>>) target(%dma_start3A_128 : memref<7816xf32, #tpu.memory_space<hbm>>) target_semaphore(%run_scoped3A : memref<!tpu.dma_semaphore, #tpu.memory_space<semaphore_mem>>)
      %dma_wait3A_129 = tpu.memref_slice %arg8[%add3A_64] : memref<2000896xf32, #tpu.memory_space<hbm>> -> memref<7816xf32, #tpu.memory_space<hbm>>
      %dma_wait3A_130 = tpu.memref_slice %arg8[%add3A_64] : memref<2000896xf32, #tpu.memory_space<hbm>> -> memref<7816xf32, #tpu.memory_space<hbm>>
      tpu.wait_dma2 semaphore(%run_scoped3A : memref<!tpu.dma_semaphore, #tpu.memory_space<semaphore_mem>>) src(%arg16 : memref<7816xf32, #tpu.memory_space<vmem>>) dst(%dma_wait3A_130 : memref<7816xf32, #tpu.memory_space<hbm>>)
      tpu.yield
    }) : () -> ()
    %add3A_71 = arith.constant 39080 : i32
    %add3A_72 = arith.addi %mul3A_2, %add3A_71 : i32
    "tpu.region"() ({
      %run_scoped3A = tpu.sem_alloc : memref<!tpu.dma_semaphore, #tpu.memory_space<semaphore_mem>>
      %dma_start3A_127 = tpu.memref_slice %arg5[%add3A_72] : memref<2000896xi32, #tpu.memory_space<hbm>> -> memref<7816xi32, #tpu.memory_space<hbm>>
      %dma_start3A_128 = tpu.memref_slice %arg5[%add3A_72] : memref<2000896xi32, #tpu.memory_space<hbm>> -> memref<7816xi32, #tpu.memory_space<hbm>>
      tpu.enqueue_dma source(%dma_start3A_128 : memref<7816xi32, #tpu.memory_space<hbm>>) target(%arg13 : memref<7816xi32, #tpu.memory_space<vmem>>) target_semaphore(%run_scoped3A : memref<!tpu.dma_semaphore, #tpu.memory_space<semaphore_mem>>)
      %dma_wait3A_129 = tpu.memref_slice %arg5[%add3A_72] : memref<2000896xi32, #tpu.memory_space<hbm>> -> memref<7816xi32, #tpu.memory_space<hbm>>
      %dma_wait3A_130 = tpu.memref_slice %arg5[%add3A_72] : memref<2000896xi32, #tpu.memory_space<hbm>> -> memref<7816xi32, #tpu.memory_space<hbm>>
      tpu.wait_dma2 semaphore(%run_scoped3A : memref<!tpu.dma_semaphore, #tpu.memory_space<semaphore_mem>>) src(%dma_wait3A_130 : memref<7816xi32, #tpu.memory_space<hbm>>) dst(%arg13 : memref<7816xi32, #tpu.memory_space<vmem>>)
      tpu.yield
    }) : () -> ()
    %dma_start3A_73 = arith.constant 0 : i32
    %dma_start3A_74 = tpu.memref_slice %arg2[%dma_start3A_73] : memref<2073600xf32, #tpu.memory_space<hbm>> -> memref<2073600xf32, #tpu.memory_space<hbm>>
    tpu.enqueue_indirect_dma source(%dma_start3A_74 : memref<2073600xf32, #tpu.memory_space<hbm>>) target(%arg14 : memref<7816xf32, #tpu.memory_space<vmem>>) offsets(%arg13 : memref<7816xi32, #tpu.memory_space<vmem>>) semaphore(%arg20 : memref<!tpu.dma_semaphore, #tpu.memory_space<semaphore_mem>>)
    %dma_start3A_75 = arith.constant 0 : i32
    %dma_start3A_76 = tpu.memref_slice %arg3[%dma_start3A_75] : memref<2073600xf32, #tpu.memory_space<hbm>> -> memref<2073600xf32, #tpu.memory_space<hbm>>
    tpu.enqueue_indirect_dma source(%dma_start3A_76 : memref<2073600xf32, #tpu.memory_space<hbm>>) target(%arg15 : memref<7816xf32, #tpu.memory_space<vmem>>) offsets(%arg13 : memref<7816xi32, #tpu.memory_space<vmem>>) semaphore(%arg21 : memref<!tpu.dma_semaphore, #tpu.memory_space<semaphore_mem>>)
    %dma_start3A_77 = arith.constant 0 : i32
    %dma_start3A_78 = tpu.memref_slice %arg4[%dma_start3A_77] : memref<2073600xf32, #tpu.memory_space<hbm>> -> memref<2073600xf32, #tpu.memory_space<hbm>>
    tpu.enqueue_indirect_dma source(%dma_start3A_78 : memref<2073600xf32, #tpu.memory_space<hbm>>) target(%arg16 : memref<7816xf32, #tpu.memory_space<vmem>>) offsets(%arg13 : memref<7816xi32, #tpu.memory_space<vmem>>) semaphore(%arg22 : memref<!tpu.dma_semaphore, #tpu.memory_space<semaphore_mem>>)
    %add3A_79 = arith.constant 31264 : i32
    %add3A_80 = arith.addi %mul3A_2, %add3A_79 : i32
    %dma_wait3A_81 = arith.constant 0 : i32
    %dma_wait3A_82 = tpu.memref_slice %arg2[%dma_wait3A_81] : memref<2073600xf32, #tpu.memory_space<hbm>> -> memref<2073600xf32, #tpu.memory_space<hbm>>
    tpu.wait_indirect_dma semaphore(%arg17 : memref<!tpu.dma_semaphore, #tpu.memory_space<semaphore_mem>>) src(%dma_wait3A_82 : memref<2073600xf32, #tpu.memory_space<hbm>>) dst(%arg10 : memref<7816xf32, #tpu.memory_space<vmem>>)
    %dma_wait3A_83 = arith.constant 0 : i32
    %dma_wait3A_84 = tpu.memref_slice %arg3[%dma_wait3A_83] : memref<2073600xf32, #tpu.memory_space<hbm>> -> memref<2073600xf32, #tpu.memory_space<hbm>>
    tpu.wait_indirect_dma semaphore(%arg18 : memref<!tpu.dma_semaphore, #tpu.memory_space<semaphore_mem>>) src(%dma_wait3A_84 : memref<2073600xf32, #tpu.memory_space<hbm>>) dst(%arg11 : memref<7816xf32, #tpu.memory_space<vmem>>)
    %dma_wait3A_85 = arith.constant 0 : i32
    %dma_wait3A_86 = tpu.memref_slice %arg4[%dma_wait3A_85] : memref<2073600xf32, #tpu.memory_space<hbm>> -> memref<2073600xf32, #tpu.memory_space<hbm>>
    tpu.wait_indirect_dma semaphore(%arg19 : memref<!tpu.dma_semaphore, #tpu.memory_space<semaphore_mem>>) src(%dma_wait3A_86 : memref<2073600xf32, #tpu.memory_space<hbm>>) dst(%arg12 : memref<7816xf32, #tpu.memory_space<vmem>>)
    "tpu.region"() ({
      %run_scoped3A = tpu.sem_alloc : memref<!tpu.dma_semaphore, #tpu.memory_space<semaphore_mem>>
      %dma_start3A_127 = tpu.memref_slice %arg6[%add3A_80] : memref<2000896xf32, #tpu.memory_space<hbm>> -> memref<7816xf32, #tpu.memory_space<hbm>>
      %dma_start3A_128 = tpu.memref_slice %arg6[%add3A_80] : memref<2000896xf32, #tpu.memory_space<hbm>> -> memref<7816xf32, #tpu.memory_space<hbm>>
      tpu.enqueue_dma source(%arg10 : memref<7816xf32, #tpu.memory_space<vmem>>) target(%dma_start3A_128 : memref<7816xf32, #tpu.memory_space<hbm>>) target_semaphore(%run_scoped3A : memref<!tpu.dma_semaphore, #tpu.memory_space<semaphore_mem>>)
      %dma_wait3A_129 = tpu.memref_slice %arg6[%add3A_80] : memref<2000896xf32, #tpu.memory_space<hbm>> -> memref<7816xf32, #tpu.memory_space<hbm>>
      %dma_wait3A_130 = tpu.memref_slice %arg6[%add3A_80] : memref<2000896xf32, #tpu.memory_space<hbm>> -> memref<7816xf32, #tpu.memory_space<hbm>>
      tpu.wait_dma2 semaphore(%run_scoped3A : memref<!tpu.dma_semaphore, #tpu.memory_space<semaphore_mem>>) src(%arg10 : memref<7816xf32, #tpu.memory_space<vmem>>) dst(%dma_wait3A_130 : memref<7816xf32, #tpu.memory_space<hbm>>)
      tpu.yield
    }) : () -> ()
    "tpu.region"() ({
      %run_scoped3A = tpu.sem_alloc : memref<!tpu.dma_semaphore, #tpu.memory_space<semaphore_mem>>
      %dma_start3A_127 = tpu.memref_slice %arg7[%add3A_80] : memref<2000896xf32, #tpu.memory_space<hbm>> -> memref<7816xf32, #tpu.memory_space<hbm>>
      %dma_start3A_128 = tpu.memref_slice %arg7[%add3A_80] : memref<2000896xf32, #tpu.memory_space<hbm>> -> memref<7816xf32, #tpu.memory_space<hbm>>
      tpu.enqueue_dma source(%arg11 : memref<7816xf32, #tpu.memory_space<vmem>>) target(%dma_start3A_128 : memref<7816xf32, #tpu.memory_space<hbm>>) target_semaphore(%run_scoped3A : memref<!tpu.dma_semaphore, #tpu.memory_space<semaphore_mem>>)
      %dma_wait3A_129 = tpu.memref_slice %arg7[%add3A_80] : memref<2000896xf32, #tpu.memory_space<hbm>> -> memref<7816xf32, #tpu.memory_space<hbm>>
      %dma_wait3A_130 = tpu.memref_slice %arg7[%add3A_80] : memref<2000896xf32, #tpu.memory_space<hbm>> -> memref<7816xf32, #tpu.memory_space<hbm>>
      tpu.wait_dma2 semaphore(%run_scoped3A : memref<!tpu.dma_semaphore, #tpu.memory_space<semaphore_mem>>) src(%arg11 : memref<7816xf32, #tpu.memory_space<vmem>>) dst(%dma_wait3A_130 : memref<7816xf32, #tpu.memory_space<hbm>>)
      tpu.yield
    }) : () -> ()
    "tpu.region"() ({
      %run_scoped3A = tpu.sem_alloc : memref<!tpu.dma_semaphore, #tpu.memory_space<semaphore_mem>>
      %dma_start3A_127 = tpu.memref_slice %arg8[%add3A_80] : memref<2000896xf32, #tpu.memory_space<hbm>> -> memref<7816xf32, #tpu.memory_space<hbm>>
      %dma_start3A_128 = tpu.memref_slice %arg8[%add3A_80] : memref<2000896xf32, #tpu.memory_space<hbm>> -> memref<7816xf32, #tpu.memory_space<hbm>>
      tpu.enqueue_dma source(%arg12 : memref<7816xf32, #tpu.memory_space<vmem>>) target(%dma_start3A_128 : memref<7816xf32, #tpu.memory_space<hbm>>) target_semaphore(%run_scoped3A : memref<!tpu.dma_semaphore, #tpu.memory_space<semaphore_mem>>)
      %dma_wait3A_129 = tpu.memref_slice %arg8[%add3A_80] : memref<2000896xf32, #tpu.memory_space<hbm>> -> memref<7816xf32, #tpu.memory_space<hbm>>
      %dma_wait3A_130 = tpu.memref_slice %arg8[%add3A_80] : memref<2000896xf32, #tpu.memory_space<hbm>> -> memref<7816xf32, #tpu.memory_space<hbm>>
      tpu.wait_dma2 semaphore(%run_scoped3A : memref<!tpu.dma_semaphore, #tpu.memory_space<semaphore_mem>>) src(%arg12 : memref<7816xf32, #tpu.memory_space<vmem>>) dst(%dma_wait3A_130 : memref<7816xf32, #tpu.memory_space<hbm>>)
      tpu.yield
    }) : () -> ()
    %add3A_87 = arith.constant 46896 : i32
    %add3A_88 = arith.addi %mul3A_2, %add3A_87 : i32
    "tpu.region"() ({
      %run_scoped3A = tpu.sem_alloc : memref<!tpu.dma_semaphore, #tpu.memory_space<semaphore_mem>>
      %dma_start3A_127 = tpu.memref_slice %arg5[%add3A_88] : memref<2000896xi32, #tpu.memory_space<hbm>> -> memref<7816xi32, #tpu.memory_space<hbm>>
      %dma_start3A_128 = tpu.memref_slice %arg5[%add3A_88] : memref<2000896xi32, #tpu.memory_space<hbm>> -> memref<7816xi32, #tpu.memory_space<hbm>>
      tpu.enqueue_dma source(%dma_start3A_128 : memref<7816xi32, #tpu.memory_space<hbm>>) target(%arg9 : memref<7816xi32, #tpu.memory_space<vmem>>) target_semaphore(%run_scoped3A : memref<!tpu.dma_semaphore, #tpu.memory_space<semaphore_mem>>)
      %dma_wait3A_129 = tpu.memref_slice %arg5[%add3A_88] : memref<2000896xi32, #tpu.memory_space<hbm>> -> memref<7816xi32, #tpu.memory_space<hbm>>
      %dma_wait3A_130 = tpu.memref_slice %arg5[%add3A_88] : memref<2000896xi32, #tpu.memory_space<hbm>> -> memref<7816xi32, #tpu.memory_space<hbm>>
      tpu.wait_dma2 semaphore(%run_scoped3A : memref<!tpu.dma_semaphore, #tpu.memory_space<semaphore_mem>>) src(%dma_wait3A_130 : memref<7816xi32, #tpu.memory_space<hbm>>) dst(%arg9 : memref<7816xi32, #tpu.memory_space<vmem>>)
      tpu.yield
    }) : () -> ()
    %dma_start3A_89 = arith.constant 0 : i32
    %dma_start3A_90 = tpu.memref_slice %arg2[%dma_start3A_89] : memref<2073600xf32, #tpu.memory_space<hbm>> -> memref<2073600xf32, #tpu.memory_space<hbm>>
    tpu.enqueue_indirect_dma source(%dma_start3A_90 : memref<2073600xf32, #tpu.memory_space<hbm>>) target(%arg10 : memref<7816xf32, #tpu.memory_space<vmem>>) offsets(%arg9 : memref<7816xi32, #tpu.memory_space<vmem>>) semaphore(%arg17 : memref<!tpu.dma_semaphore, #tpu.memory_space<semaphore_mem>>)
    %dma_start3A_91 = arith.constant 0 : i32
    %dma_start3A_92 = tpu.memref_slice %arg3[%dma_start3A_91] : memref<2073600xf32, #tpu.memory_space<hbm>> -> memref<2073600xf32, #tpu.memory_space<hbm>>
    tpu.enqueue_indirect_dma source(%dma_start3A_92 : memref<2073600xf32, #tpu.memory_space<hbm>>) target(%arg11 : memref<7816xf32, #tpu.memory_space<vmem>>) offsets(%arg9 : memref<7816xi32, #tpu.memory_space<vmem>>) semaphore(%arg18 : memref<!tpu.dma_semaphore, #tpu.memory_space<semaphore_mem>>)
    %dma_start3A_93 = arith.constant 0 : i32
    %dma_start3A_94 = tpu.memref_slice %arg4[%dma_start3A_93] : memref<2073600xf32, #tpu.memory_space<hbm>> -> memref<2073600xf32, #tpu.memory_space<hbm>>
    tpu.enqueue_indirect_dma source(%dma_start3A_94 : memref<2073600xf32, #tpu.memory_space<hbm>>) target(%arg12 : memref<7816xf32, #tpu.memory_space<vmem>>) offsets(%arg9 : memref<7816xi32, #tpu.memory_space<vmem>>) semaphore(%arg19 : memref<!tpu.dma_semaphore, #tpu.memory_space<semaphore_mem>>)
    %add3A_95 = arith.constant 39080 : i32
    %add3A_96 = arith.addi %mul3A_2, %add3A_95 : i32
    %dma_wait3A_97 = arith.constant 0 : i32
    %dma_wait3A_98 = tpu.memref_slice %arg2[%dma_wait3A_97] : memref<2073600xf32, #tpu.memory_space<hbm>> -> memref<2073600xf32, #tpu.memory_space<hbm>>
    tpu.wait_indirect_dma semaphore(%arg20 : memref<!tpu.dma_semaphore, #tpu.memory_space<semaphore_mem>>) src(%dma_wait3A_98 : memref<2073600xf32, #tpu.memory_space<hbm>>) dst(%arg14 : memref<7816xf32, #tpu.memory_space<vmem>>)
    %dma_wait3A_99 = arith.constant 0 : i32
    %dma_wait3A_100 = tpu.memref_slice %arg3[%dma_wait3A_99] : memref<2073600xf32, #tpu.memory_space<hbm>> -> memref<2073600xf32, #tpu.memory_space<hbm>>
    tpu.wait_indirect_dma semaphore(%arg21 : memref<!tpu.dma_semaphore, #tpu.memory_space<semaphore_mem>>) src(%dma_wait3A_100 : memref<2073600xf32, #tpu.memory_space<hbm>>) dst(%arg15 : memref<7816xf32, #tpu.memory_space<vmem>>)
    %dma_wait3A_101 = arith.constant 0 : i32
    %dma_wait3A_102 = tpu.memref_slice %arg4[%dma_wait3A_101] : memref<2073600xf32, #tpu.memory_space<hbm>> -> memref<2073600xf32, #tpu.memory_space<hbm>>
    tpu.wait_indirect_dma semaphore(%arg22 : memref<!tpu.dma_semaphore, #tpu.memory_space<semaphore_mem>>) src(%dma_wait3A_102 : memref<2073600xf32, #tpu.memory_space<hbm>>) dst(%arg16 : memref<7816xf32, #tpu.memory_space<vmem>>)
    "tpu.region"() ({
      %run_scoped3A = tpu.sem_alloc : memref<!tpu.dma_semaphore, #tpu.memory_space<semaphore_mem>>
      %dma_start3A_127 = tpu.memref_slice %arg6[%add3A_96] : memref<2000896xf32, #tpu.memory_space<hbm>> -> memref<7816xf32, #tpu.memory_space<hbm>>
      %dma_start3A_128 = tpu.memref_slice %arg6[%add3A_96] : memref<2000896xf32, #tpu.memory_space<hbm>> -> memref<7816xf32, #tpu.memory_space<hbm>>
      tpu.enqueue_dma source(%arg14 : memref<7816xf32, #tpu.memory_space<vmem>>) target(%dma_start3A_128 : memref<7816xf32, #tpu.memory_space<hbm>>) target_semaphore(%run_scoped3A : memref<!tpu.dma_semaphore, #tpu.memory_space<semaphore_mem>>)
      %dma_wait3A_129 = tpu.memref_slice %arg6[%add3A_96] : memref<2000896xf32, #tpu.memory_space<hbm>> -> memref<7816xf32, #tpu.memory_space<hbm>>
      %dma_wait3A_130 = tpu.memref_slice %arg6[%add3A_96] : memref<2000896xf32, #tpu.memory_space<hbm>> -> memref<7816xf32, #tpu.memory_space<hbm>>
      tpu.wait_dma2 semaphore(%run_scoped3A : memref<!tpu.dma_semaphore, #tpu.memory_space<semaphore_mem>>) src(%arg14 : memref<7816xf32, #tpu.memory_space<vmem>>) dst(%dma_wait3A_130 : memref<7816xf32, #tpu.memory_space<hbm>>)
      tpu.yield
    }) : () -> ()
    "tpu.region"() ({
      %run_scoped3A = tpu.sem_alloc : memref<!tpu.dma_semaphore, #tpu.memory_space<semaphore_mem>>
      %dma_start3A_127 = tpu.memref_slice %arg7[%add3A_96] : memref<2000896xf32, #tpu.memory_space<hbm>> -> memref<7816xf32, #tpu.memory_space<hbm>>
      %dma_start3A_128 = tpu.memref_slice %arg7[%add3A_96] : memref<2000896xf32, #tpu.memory_space<hbm>> -> memref<7816xf32, #tpu.memory_space<hbm>>
      tpu.enqueue_dma source(%arg15 : memref<7816xf32, #tpu.memory_space<vmem>>) target(%dma_start3A_128 : memref<7816xf32, #tpu.memory_space<hbm>>) target_semaphore(%run_scoped3A : memref<!tpu.dma_semaphore, #tpu.memory_space<semaphore_mem>>)
      %dma_wait3A_129 = tpu.memref_slice %arg7[%add3A_96] : memref<2000896xf32, #tpu.memory_space<hbm>> -> memref<7816xf32, #tpu.memory_space<hbm>>
      %dma_wait3A_130 = tpu.memref_slice %arg7[%add3A_96] : memref<2000896xf32, #tpu.memory_space<hbm>> -> memref<7816xf32, #tpu.memory_space<hbm>>
      tpu.wait_dma2 semaphore(%run_scoped3A : memref<!tpu.dma_semaphore, #tpu.memory_space<semaphore_mem>>) src(%arg15 : memref<7816xf32, #tpu.memory_space<vmem>>) dst(%dma_wait3A_130 : memref<7816xf32, #tpu.memory_space<hbm>>)
      tpu.yield
    }) : () -> ()
    "tpu.region"() ({
      %run_scoped3A = tpu.sem_alloc : memref<!tpu.dma_semaphore, #tpu.memory_space<semaphore_mem>>
      %dma_start3A_127 = tpu.memref_slice %arg8[%add3A_96] : memref<2000896xf32, #tpu.memory_space<hbm>> -> memref<7816xf32, #tpu.memory_space<hbm>>
      %dma_start3A_128 = tpu.memref_slice %arg8[%add3A_96] : memref<2000896xf32, #tpu.memory_space<hbm>> -> memref<7816xf32, #tpu.memory_space<hbm>>
      tpu.enqueue_dma source(%arg16 : memref<7816xf32, #tpu.memory_space<vmem>>) target(%dma_start3A_128 : memref<7816xf32, #tpu.memory_space<hbm>>) target_semaphore(%run_scoped3A : memref<!tpu.dma_semaphore, #tpu.memory_space<semaphore_mem>>)
      %dma_wait3A_129 = tpu.memref_slice %arg8[%add3A_96] : memref<2000896xf32, #tpu.memory_space<hbm>> -> memref<7816xf32, #tpu.memory_space<hbm>>
      %dma_wait3A_130 = tpu.memref_slice %arg8[%add3A_96] : memref<2000896xf32, #tpu.memory_space<hbm>> -> memref<7816xf32, #tpu.memory_space<hbm>>
      tpu.wait_dma2 semaphore(%run_scoped3A : memref<!tpu.dma_semaphore, #tpu.memory_space<semaphore_mem>>) src(%arg16 : memref<7816xf32, #tpu.memory_space<vmem>>) dst(%dma_wait3A_130 : memref<7816xf32, #tpu.memory_space<hbm>>)
      tpu.yield
    }) : () -> ()
    %add3A_103 = arith.constant 54712 : i32
    %add3A_104 = arith.addi %mul3A_2, %add3A_103 : i32
    "tpu.region"() ({
      %run_scoped3A = tpu.sem_alloc : memref<!tpu.dma_semaphore, #tpu.memory_space<semaphore_mem>>
      %dma_start3A_127 = tpu.memref_slice %arg5[%add3A_104] : memref<2000896xi32, #tpu.memory_space<hbm>> -> memref<7816xi32, #tpu.memory_space<hbm>>
      %dma_start3A_128 = tpu.memref_slice %arg5[%add3A_104] : memref<2000896xi32, #tpu.memory_space<hbm>> -> memref<7816xi32, #tpu.memory_space<hbm>>
      tpu.enqueue_dma source(%dma_start3A_128 : memref<7816xi32, #tpu.memory_space<hbm>>) target(%arg13 : memref<7816xi32, #tpu.memory_space<vmem>>) target_semaphore(%run_scoped3A : memref<!tpu.dma_semaphore, #tpu.memory_space<semaphore_mem>>)
      %dma_wait3A_129 = tpu.memref_slice %arg5[%add3A_104] : memref<2000896xi32, #tpu.memory_space<hbm>> -> memref<7816xi32, #tpu.memory_space<hbm>>
      %dma_wait3A_130 = tpu.memref_slice %arg5[%add3A_104] : memref<2000896xi32, #tpu.memory_space<hbm>> -> memref<7816xi32, #tpu.memory_space<hbm>>
      tpu.wait_dma2 semaphore(%run_scoped3A : memref<!tpu.dma_semaphore, #tpu.memory_space<semaphore_mem>>) src(%dma_wait3A_130 : memref<7816xi32, #tpu.memory_space<hbm>>) dst(%arg13 : memref<7816xi32, #tpu.memory_space<vmem>>)
      tpu.yield
    }) : () -> ()
    %dma_start3A_105 = arith.constant 0 : i32
    %dma_start3A_106 = tpu.memref_slice %arg2[%dma_start3A_105] : memref<2073600xf32, #tpu.memory_space<hbm>> -> memref<2073600xf32, #tpu.memory_space<hbm>>
    tpu.enqueue_indirect_dma source(%dma_start3A_106 : memref<2073600xf32, #tpu.memory_space<hbm>>) target(%arg14 : memref<7816xf32, #tpu.memory_space<vmem>>) offsets(%arg13 : memref<7816xi32, #tpu.memory_space<vmem>>) semaphore(%arg20 : memref<!tpu.dma_semaphore, #tpu.memory_space<semaphore_mem>>)
    %dma_start3A_107 = arith.constant 0 : i32
    %dma_start3A_108 = tpu.memref_slice %arg3[%dma_start3A_107] : memref<2073600xf32, #tpu.memory_space<hbm>> -> memref<2073600xf32, #tpu.memory_space<hbm>>
    tpu.enqueue_indirect_dma source(%dma_start3A_108 : memref<2073600xf32, #tpu.memory_space<hbm>>) target(%arg15 : memref<7816xf32, #tpu.memory_space<vmem>>) offsets(%arg13 : memref<7816xi32, #tpu.memory_space<vmem>>) semaphore(%arg21 : memref<!tpu.dma_semaphore, #tpu.memory_space<semaphore_mem>>)
    %dma_start3A_109 = arith.constant 0 : i32
    %dma_start3A_110 = tpu.memref_slice %arg4[%dma_start3A_109] : memref<2073600xf32, #tpu.memory_space<hbm>> -> memref<2073600xf32, #tpu.memory_space<hbm>>
    tpu.enqueue_indirect_dma source(%dma_start3A_110 : memref<2073600xf32, #tpu.memory_space<hbm>>) target(%arg16 : memref<7816xf32, #tpu.memory_space<vmem>>) offsets(%arg13 : memref<7816xi32, #tpu.memory_space<vmem>>) semaphore(%arg22 : memref<!tpu.dma_semaphore, #tpu.memory_space<semaphore_mem>>)
    %add3A_111 = arith.constant 46896 : i32
    %add3A_112 = arith.addi %mul3A_2, %add3A_111 : i32
    %dma_wait3A_113 = arith.constant 0 : i32
    %dma_wait3A_114 = tpu.memref_slice %arg2[%dma_wait3A_113] : memref<2073600xf32, #tpu.memory_space<hbm>> -> memref<2073600xf32, #tpu.memory_space<hbm>>
    tpu.wait_indirect_dma semaphore(%arg17 : memref<!tpu.dma_semaphore, #tpu.memory_space<semaphore_mem>>) src(%dma_wait3A_114 : memref<2073600xf32, #tpu.memory_space<hbm>>) dst(%arg10 : memref<7816xf32, #tpu.memory_space<vmem>>)
    %dma_wait3A_115 = arith.constant 0 : i32
    %dma_wait3A_116 = tpu.memref_slice %arg3[%dma_wait3A_115] : memref<2073600xf32, #tpu.memory_space<hbm>> -> memref<2073600xf32, #tpu.memory_space<hbm>>
    tpu.wait_indirect_dma semaphore(%arg18 : memref<!tpu.dma_semaphore, #tpu.memory_space<semaphore_mem>>) src(%dma_wait3A_116 : memref<2073600xf32, #tpu.memory_space<hbm>>) dst(%arg11 : memref<7816xf32, #tpu.memory_space<vmem>>)
    %dma_wait3A_117 = arith.constant 0 : i32
    %dma_wait3A_118 = tpu.memref_slice %arg4[%dma_wait3A_117] : memref<2073600xf32, #tpu.memory_space<hbm>> -> memref<2073600xf32, #tpu.memory_space<hbm>>
    tpu.wait_indirect_dma semaphore(%arg19 : memref<!tpu.dma_semaphore, #tpu.memory_space<semaphore_mem>>) src(%dma_wait3A_118 : memref<2073600xf32, #tpu.memory_space<hbm>>) dst(%arg12 : memref<7816xf32, #tpu.memory_space<vmem>>)
    "tpu.region"() ({
      %run_scoped3A = tpu.sem_alloc : memref<!tpu.dma_semaphore, #tpu.memory_space<semaphore_mem>>
      %dma_start3A_127 = tpu.memref_slice %arg6[%add3A_112] : memref<2000896xf32, #tpu.memory_space<hbm>> -> memref<7816xf32, #tpu.memory_space<hbm>>
      %dma_start3A_128 = tpu.memref_slice %arg6[%add3A_112] : memref<2000896xf32, #tpu.memory_space<hbm>> -> memref<7816xf32, #tpu.memory_space<hbm>>
      tpu.enqueue_dma source(%arg10 : memref<7816xf32, #tpu.memory_space<vmem>>) target(%dma_start3A_128 : memref<7816xf32, #tpu.memory_space<hbm>>) target_semaphore(%run_scoped3A : memref<!tpu.dma_semaphore, #tpu.memory_space<semaphore_mem>>)
      %dma_wait3A_129 = tpu.memref_slice %arg6[%add3A_112] : memref<2000896xf32, #tpu.memory_space<hbm>> -> memref<7816xf32, #tpu.memory_space<hbm>>
      %dma_wait3A_130 = tpu.memref_slice %arg6[%add3A_112] : memref<2000896xf32, #tpu.memory_space<hbm>> -> memref<7816xf32, #tpu.memory_space<hbm>>
      tpu.wait_dma2 semaphore(%run_scoped3A : memref<!tpu.dma_semaphore, #tpu.memory_space<semaphore_mem>>) src(%arg10 : memref<7816xf32, #tpu.memory_space<vmem>>) dst(%dma_wait3A_130 : memref<7816xf32, #tpu.memory_space<hbm>>)
      tpu.yield
    }) : () -> ()
    "tpu.region"() ({
      %run_scoped3A = tpu.sem_alloc : memref<!tpu.dma_semaphore, #tpu.memory_space<semaphore_mem>>
      %dma_start3A_127 = tpu.memref_slice %arg7[%add3A_112] : memref<2000896xf32, #tpu.memory_space<hbm>> -> memref<7816xf32, #tpu.memory_space<hbm>>
      %dma_start3A_128 = tpu.memref_slice %arg7[%add3A_112] : memref<2000896xf32, #tpu.memory_space<hbm>> -> memref<7816xf32, #tpu.memory_space<hbm>>
      tpu.enqueue_dma source(%arg11 : memref<7816xf32, #tpu.memory_space<vmem>>) target(%dma_start3A_128 : memref<7816xf32, #tpu.memory_space<hbm>>) target_semaphore(%run_scoped3A : memref<!tpu.dma_semaphore, #tpu.memory_space<semaphore_mem>>)
      %dma_wait3A_129 = tpu.memref_slice %arg7[%add3A_112] : memref<2000896xf32, #tpu.memory_space<hbm>> -> memref<7816xf32, #tpu.memory_space<hbm>>
      %dma_wait3A_130 = tpu.memref_slice %arg7[%add3A_112] : memref<2000896xf32, #tpu.memory_space<hbm>> -> memref<7816xf32, #tpu.memory_space<hbm>>
      tpu.wait_dma2 semaphore(%run_scoped3A : memref<!tpu.dma_semaphore, #tpu.memory_space<semaphore_mem>>) src(%arg11 : memref<7816xf32, #tpu.memory_space<vmem>>) dst(%dma_wait3A_130 : memref<7816xf32, #tpu.memory_space<hbm>>)
      tpu.yield
    }) : () -> ()
    "tpu.region"() ({
      %run_scoped3A = tpu.sem_alloc : memref<!tpu.dma_semaphore, #tpu.memory_space<semaphore_mem>>
      %dma_start3A_127 = tpu.memref_slice %arg8[%add3A_112] : memref<2000896xf32, #tpu.memory_space<hbm>> -> memref<7816xf32, #tpu.memory_space<hbm>>
      %dma_start3A_128 = tpu.memref_slice %arg8[%add3A_112] : memref<2000896xf32, #tpu.memory_space<hbm>> -> memref<7816xf32, #tpu.memory_space<hbm>>
      tpu.enqueue_dma source(%arg12 : memref<7816xf32, #tpu.memory_space<vmem>>) target(%dma_start3A_128 : memref<7816xf32, #tpu.memory_space<hbm>>) target_semaphore(%run_scoped3A : memref<!tpu.dma_semaphore, #tpu.memory_space<semaphore_mem>>)
      %dma_wait3A_129 = tpu.memref_slice %arg8[%add3A_112] : memref<2000896xf32, #tpu.memory_space<hbm>> -> memref<7816xf32, #tpu.memory_space<hbm>>
      %dma_wait3A_130 = tpu.memref_slice %arg8[%add3A_112] : memref<2000896xf32, #tpu.memory_space<hbm>> -> memref<7816xf32, #tpu.memory_space<hbm>>
      tpu.wait_dma2 semaphore(%run_scoped3A : memref<!tpu.dma_semaphore, #tpu.memory_space<semaphore_mem>>) src(%arg12 : memref<7816xf32, #tpu.memory_space<vmem>>) dst(%dma_wait3A_130 : memref<7816xf32, #tpu.memory_space<hbm>>)
      tpu.yield
    }) : () -> ()
    %add3A_119 = arith.constant 54712 : i32
    %add3A_120 = arith.addi %mul3A_2, %add3A_119 : i32
    %dma_wait3A_121 = arith.constant 0 : i32
    %dma_wait3A_122 = tpu.memref_slice %arg2[%dma_wait3A_121] : memref<2073600xf32, #tpu.memory_space<hbm>> -> memref<2073600xf32, #tpu.memory_space<hbm>>
    tpu.wait_indirect_dma semaphore(%arg20 : memref<!tpu.dma_semaphore, #tpu.memory_space<semaphore_mem>>) src(%dma_wait3A_122 : memref<2073600xf32, #tpu.memory_space<hbm>>) dst(%arg14 : memref<7816xf32, #tpu.memory_space<vmem>>)
    %dma_wait3A_123 = arith.constant 0 : i32
    %dma_wait3A_124 = tpu.memref_slice %arg3[%dma_wait3A_123] : memref<2073600xf32, #tpu.memory_space<hbm>> -> memref<2073600xf32, #tpu.memory_space<hbm>>
    tpu.wait_indirect_dma semaphore(%arg21 : memref<!tpu.dma_semaphore, #tpu.memory_space<semaphore_mem>>) src(%dma_wait3A_124 : memref<2073600xf32, #tpu.memory_space<hbm>>) dst(%arg15 : memref<7816xf32, #tpu.memory_space<vmem>>)
    %dma_wait3A_125 = arith.constant 0 : i32
    %dma_wait3A_126 = tpu.memref_slice %arg4[%dma_wait3A_125] : memref<2073600xf32, #tpu.memory_space<hbm>> -> memref<2073600xf32, #tpu.memory_space<hbm>>
    tpu.wait_indirect_dma semaphore(%arg22 : memref<!tpu.dma_semaphore, #tpu.memory_space<semaphore_mem>>) src(%dma_wait3A_126 : memref<2073600xf32, #tpu.memory_space<hbm>>) dst(%arg16 : memref<7816xf32, #tpu.memory_space<vmem>>)
    "tpu.region"() ({
      %run_scoped3A = tpu.sem_alloc : memref<!tpu.dma_semaphore, #tpu.memory_space<semaphore_mem>>
      %dma_start3A_127 = tpu.memref_slice %arg6[%add3A_120] : memref<2000896xf32, #tpu.memory_space<hbm>> -> memref<7816xf32, #tpu.memory_space<hbm>>
      %dma_start3A_128 = tpu.memref_slice %arg6[%add3A_120] : memref<2000896xf32, #tpu.memory_space<hbm>> -> memref<7816xf32, #tpu.memory_space<hbm>>
      tpu.enqueue_dma source(%arg14 : memref<7816xf32, #tpu.memory_space<vmem>>) target(%dma_start3A_128 : memref<7816xf32, #tpu.memory_space<hbm>>) target_semaphore(%run_scoped3A : memref<!tpu.dma_semaphore, #tpu.memory_space<semaphore_mem>>)
      %dma_wait3A_129 = tpu.memref_slice %arg6[%add3A_120] : memref<2000896xf32, #tpu.memory_space<hbm>> -> memref<7816xf32, #tpu.memory_space<hbm>>
      %dma_wait3A_130 = tpu.memref_slice %arg6[%add3A_120] : memref<2000896xf32, #tpu.memory_space<hbm>> -> memref<7816xf32, #tpu.memory_space<hbm>>
      tpu.wait_dma2 semaphore(%run_scoped3A : memref<!tpu.dma_semaphore, #tpu.memory_space<semaphore_mem>>) src(%arg14 : memref<7816xf32, #tpu.memory_space<vmem>>) dst(%dma_wait3A_130 : memref<7816xf32, #tpu.memory_space<hbm>>)
      tpu.yield
    }) : () -> ()
    "tpu.region"() ({
      %run_scoped3A = tpu.sem_alloc : memref<!tpu.dma_semaphore, #tpu.memory_space<semaphore_mem>>
      %dma_start3A_127 = tpu.memref_slice %arg7[%add3A_120] : memref<2000896xf32, #tpu.memory_space<hbm>> -> memref<7816xf32, #tpu.memory_space<hbm>>
      %dma_start3A_128 = tpu.memref_slice %arg7[%add3A_120] : memref<2000896xf32, #tpu.memory_space<hbm>> -> memref<7816xf32, #tpu.memory_space<hbm>>
      tpu.enqueue_dma source(%arg15 : memref<7816xf32, #tpu.memory_space<vmem>>) target(%dma_start3A_128 : memref<7816xf32, #tpu.memory_space<hbm>>) target_semaphore(%run_scoped3A : memref<!tpu.dma_semaphore, #tpu.memory_space<semaphore_mem>>)
      %dma_wait3A_129 = tpu.memref_slice %arg7[%add3A_120] : memref<2000896xf32, #tpu.memory_space<hbm>> -> memref<7816xf32, #tpu.memory_space<hbm>>
      %dma_wait3A_130 = tpu.memref_slice %arg7[%add3A_120] : memref<2000896xf32, #tpu.memory_space<hbm>> -> memref<7816xf32, #tpu.memory_space<hbm>>
      tpu.wait_dma2 semaphore(%run_scoped3A : memref<!tpu.dma_semaphore, #tpu.memory_space<semaphore_mem>>) src(%arg15 : memref<7816xf32, #tpu.memory_space<vmem>>) dst(%dma_wait3A_130 : memref<7816xf32, #tpu.memory_space<hbm>>)
      tpu.yield
    }) : () -> ()
    "tpu.region"() ({
      %run_scoped3A = tpu.sem_alloc : memref<!tpu.dma_semaphore, #tpu.memory_space<semaphore_mem>>
      %dma_start3A_127 = tpu.memref_slice %arg8[%add3A_120] : memref<2000896xf32, #tpu.memory_space<hbm>> -> memref<7816xf32, #tpu.memory_space<hbm>>
      %dma_start3A_128 = tpu.memref_slice %arg8[%add3A_120] : memref<2000896xf32, #tpu.memory_space<hbm>> -> memref<7816xf32, #tpu.memory_space<hbm>>
      tpu.enqueue_dma source(%arg16 : memref<7816xf32, #tpu.memory_space<vmem>>) target(%dma_start3A_128 : memref<7816xf32, #tpu.memory_space<hbm>>) target_semaphore(%run_scoped3A : memref<!tpu.dma_semaphore, #tpu.memory_space<semaphore_mem>>)
      %dma_wait3A_129 = tpu.memref_slice %arg8[%add3A_120] : memref<2000896xf32, #tpu.memory_space<hbm>> -> memref<7816xf32, #tpu.memory_space<hbm>>
      %dma_wait3A_130 = tpu.memref_slice %arg8[%add3A_120] : memref<2000896xf32, #tpu.memory_space<hbm>> -> memref<7816xf32, #tpu.memory_space<hbm>>
      tpu.wait_dma2 semaphore(%run_scoped3A : memref<!tpu.dma_semaphore, #tpu.memory_space<semaphore_mem>>) src(%arg16 : memref<7816xf32, #tpu.memory_space<vmem>>) dst(%dma_wait3A_130 : memref<7816xf32, #tpu.memory_space<hbm>>)
      tpu.yield
    }) : () -> ()
    return
  }
}

module attributes {stable_mosaic.version = 14 : i64} {
  func.func @_ew_body(%arg0: i32, %arg1: memref<512x128xf32, #tpu.memory_space<vmem>>, %arg2: memref<512x128xf32, #tpu.memory_space<vmem>>, %arg3: memref<512x128xf32, #tpu.memory_space<vmem>>, %arg4: memref<512x128xf32, #tpu.memory_space<vmem>>, %arg5: memref<512x128xf32, #tpu.memory_space<vmem>>, %arg6: memref<512x128xf32, #tpu.memory_space<vmem>>, %arg7: memref<512x128xf32, #tpu.memory_space<vmem>>, %arg8: memref<512x128xf32, #tpu.memory_space<vmem>>, %arg9: memref<3x512x128xf32, #tpu.memory_space<vmem>>, %arg10: memref<512x128xf32, #tpu.memory_space<vmem>>, %arg11: memref<512x128xf32, #tpu.memory_space<vmem>>, %arg12: memref<512x128xf32, #tpu.memory_space<vmem>>, %arg13: memref<3x512x128xf32, #tpu.memory_space<vmem>>) attributes {dimension_semantics = [#tpu.dimension_semantics<arbitrary>], iteration_bounds = array<i64: 31>, scalar_prefetch = 0 : i64, scratch_operands = 0 : i64, tpu.core_type = #tpu.core_type<tc>, window_params = [{transform_indices = @transform_0, window_bounds = array<i64: 512, 128>}, {transform_indices = @transform_1, window_bounds = array<i64: 512, 128>}, {transform_indices = @transform_2, window_bounds = array<i64: 512, 128>}, {transform_indices = @transform_3, window_bounds = array<i64: 512, 128>}, {transform_indices = @transform_4, window_bounds = array<i64: 512, 128>}, {transform_indices = @transform_5, window_bounds = array<i64: 512, 128>}, {transform_indices = @transform_6, window_bounds = array<i64: 512, 128>}, {transform_indices = @transform_7, window_bounds = array<i64: 512, 128>}, {transform_indices = @transform_8, window_bounds = array<i64: 3, 512, 128>}, {transform_indices = @transform_9, window_bounds = array<i64: 512, 128>}, {transform_indices = @transform_10, window_bounds = array<i64: 512, 128>}, {transform_indices = @transform_11, window_bounds = array<i64: 512, 128>}, {transform_indices = @transform_12, window_bounds = array<i64: 3, 512, 128>}]} {
    %get3A = arith.constant 0 : index
    %get3A_0 = arith.constant 0 : index
    %get3A_1 = vector.load %arg1[%get3A, %get3A_0] : memref<512x128xf32, #tpu.memory_space<vmem>>, vector<512x128xf32>
    %get3A_2 = arith.constant 0 : index
    %get3A_3 = arith.constant 0 : index
    %get3A_4 = vector.load %arg3[%get3A_2, %get3A_3] : memref<512x128xf32, #tpu.memory_space<vmem>>, vector<512x128xf32>
    %gt3A = arith.cmpf ogt, %get3A_1, %get3A_4 : vector<512x128xf32>
    %select_n3A = arith.select %gt3A, %get3A_1, %get3A_4 : vector<512x128xi1>, vector<512x128xf32>
    %swap3A = arith.constant 0 : index
    %swap3A_5 = arith.constant 0 : index
    %swap3A_6 = vector.load %arg10[%swap3A, %swap3A_5] : memref<512x128xf32, #tpu.memory_space<vmem>>, vector<512x128xf32>
    tpu.vector_store %arg10[%swap3A, %swap3A_5], %select_n3A {strides = array<i32>} : memref<512x128xf32, #tpu.memory_space<vmem>>, vector<512x128xf32>,
    %get3A_7 = arith.constant 0 : index
    %get3A_8 = arith.constant 0 : index
    %get3A_9 = vector.load %arg4[%get3A_7, %get3A_8] : memref<512x128xf32, #tpu.memory_space<vmem>>, vector<512x128xf32>
    %add3A = arith.addf %get3A_9, %get3A_1 : vector<512x128xf32>
    %swap3A_10 = arith.constant 0 : index
    %swap3A_11 = arith.constant 0 : index
    %swap3A_12 = vector.load %arg11[%swap3A_10, %swap3A_11] : memref<512x128xf32, #tpu.memory_space<vmem>>, vector<512x128xf32>
    tpu.vector_store %arg11[%swap3A_10, %swap3A_11], %add3A {strides = array<i32>} : memref<512x128xf32, #tpu.memory_space<vmem>>, vector<512x128xf32>,
    %get3A_13 = arith.constant 0 : index
    %get3A_14 = arith.constant 0 : index
    %get3A_15 = vector.load %arg2[%get3A_13, %get3A_14] : memref<512x128xf32, #tpu.memory_space<vmem>>, vector<512x128xf32>
    %get3A_16 = arith.constant 0 : index
    %get3A_17 = arith.constant 0 : index
    %get3A_18 = vector.load %arg5[%get3A_16, %get3A_17] : memref<512x128xf32, #tpu.memory_space<vmem>>, vector<512x128xf32>
    %lt3A = arith.cmpf olt, %get3A_15, %get3A_18 : vector<512x128xf32>
    %select_n3A_19 = arith.select %lt3A, %get3A_15, %get3A_18 : vector<512x128xi1>, vector<512x128xf32>
    %swap3A_20 = arith.constant 0 : index
    %swap3A_21 = arith.constant 0 : index
    %swap3A_22 = vector.load %arg12[%swap3A_20, %swap3A_21] : memref<512x128xf32, #tpu.memory_space<vmem>>, vector<512x128xf32>
    tpu.vector_store %arg12[%swap3A_20, %swap3A_21], %select_n3A_19 {strides = array<i32>} : memref<512x128xf32, #tpu.memory_space<vmem>>, vector<512x128xf32>,
    %get3A_23 = arith.constant 0 : index
    %get3A_24 = arith.constant 0 : index
    %get3A_25 = vector.load %arg6[%get3A_23, %get3A_24] : memref<512x128xf32, #tpu.memory_space<vmem>>, vector<512x128xf32>
    %get3A_26 = arith.constant 0 : index
    %get3A_27 = arith.constant 0 : index
    %get3A_28 = arith.constant 0 : index
    %get3A_29 = vector.load %arg9[%get3A_26, %get3A_27, %get3A_28] : memref<3x512x128xf32, #tpu.memory_space<vmem>>, vector<1x512x128xf32>
    %get3A_30 = vector.shape_cast %get3A_29 : vector<1x512x128xf32> to vector<512x128xf32>
    %select_n3A_31 = arith.select %gt3A, %get3A_25, %get3A_30 : vector<512x128xi1>, vector<512x128xf32>
    %swap3A_32 = arith.constant 0 : index
    %swap3A_33 = arith.constant 0 : index
    %swap3A_34 = arith.constant 0 : index
    %swap3A_35 = vector.load %arg13[%swap3A_32, %swap3A_33, %swap3A_34] : memref<3x512x128xf32, #tpu.memory_space<vmem>>, vector<1x512x128xf32>
    %swap3A_36 = vector.shape_cast %swap3A_35 : vector<1x512x128xf32> to vector<512x128xf32>
    %swap3A_37 = vector.shape_cast %select_n3A_31 : vector<512x128xf32> to vector<1x512x128xf32>
    tpu.vector_store %arg13[%swap3A_32, %swap3A_33, %swap3A_34], %swap3A_37 {strides = array<i32>} : memref<3x512x128xf32, #tpu.memory_space<vmem>>, vector<1x512x128xf32>,
    %get3A_38 = arith.constant 0 : index
    %get3A_39 = arith.constant 0 : index
    %get3A_40 = vector.load %arg7[%get3A_38, %get3A_39] : memref<512x128xf32, #tpu.memory_space<vmem>>, vector<512x128xf32>
    %get3A_41 = arith.constant 1 : index
    %get3A_42 = arith.constant 0 : index
    %get3A_43 = arith.constant 0 : index
    %get3A_44 = vector.load %arg9[%get3A_41, %get3A_42, %get3A_43] : memref<3x512x128xf32, #tpu.memory_space<vmem>>, vector<1x512x128xf32>
    %get3A_45 = vector.shape_cast %get3A_44 : vector<1x512x128xf32> to vector<512x128xf32>
    %select_n3A_46 = arith.select %gt3A, %get3A_40, %get3A_45 : vector<512x128xi1>, vector<512x128xf32>
    %swap3A_47 = arith.constant 1 : index
    %swap3A_48 = arith.constant 0 : index
    %swap3A_49 = arith.constant 0 : index
    %swap3A_50 = vector.load %arg13[%swap3A_47, %swap3A_48, %swap3A_49] : memref<3x512x128xf32, #tpu.memory_space<vmem>>, vector<1x512x128xf32>
    %swap3A_51 = vector.shape_cast %swap3A_50 : vector<1x512x128xf32> to vector<512x128xf32>
    %swap3A_52 = vector.shape_cast %select_n3A_46 : vector<512x128xf32> to vector<1x512x128xf32>
    tpu.vector_store %arg13[%swap3A_47, %swap3A_48, %swap3A_49], %swap3A_52 {strides = array<i32>} : memref<3x512x128xf32, #tpu.memory_space<vmem>>, vector<1x512x128xf32>,
    %get3A_53 = arith.constant 0 : index
    %get3A_54 = arith.constant 0 : index
    %get3A_55 = vector.load %arg8[%get3A_53, %get3A_54] : memref<512x128xf32, #tpu.memory_space<vmem>>, vector<512x128xf32>
    %get3A_56 = arith.constant 2 : index
    %get3A_57 = arith.constant 0 : index
    %get3A_58 = arith.constant 0 : index
    %get3A_59 = vector.load %arg9[%get3A_56, %get3A_57, %get3A_58] : memref<3x512x128xf32, #tpu.memory_space<vmem>>, vector<1x512x128xf32>
    %get3A_60 = vector.shape_cast %get3A_59 : vector<1x512x128xf32> to vector<512x128xf32>
    %select_n3A_61 = arith.select %gt3A, %get3A_55, %get3A_60 : vector<512x128xi1>, vector<512x128xf32>
    %swap3A_62 = arith.constant 2 : index
    %swap3A_63 = arith.constant 0 : index
    %swap3A_64 = arith.constant 0 : index
    %swap3A_65 = vector.load %arg13[%swap3A_62, %swap3A_63, %swap3A_64] : memref<3x512x128xf32, #tpu.memory_space<vmem>>, vector<1x512x128xf32>
    %swap3A_66 = vector.shape_cast %swap3A_65 : vector<1x512x128xf32> to vector<512x128xf32>
    %swap3A_67 = vector.shape_cast %select_n3A_61 : vector<512x128xf32> to vector<1x512x128xf32>
    tpu.vector_store %arg13[%swap3A_62, %swap3A_63, %swap3A_64], %swap3A_67 {strides = array<i32>} : memref<3x512x128xf32, #tpu.memory_space<vmem>>, vector<1x512x128xf32>,
    return
  }
  func.func @transform_0(%arg0: i32) -> (i32, i32) {
    %c0_i32 = arith.constant 0 : i32
    %c0_i32_0 = arith.constant 0 : i32
    return %arg0, %c0_i32 : i32, i32
  }
  func.func @transform_1(%arg0: i32) -> (i32, i32) {
    %c0_i32 = arith.constant 0 : i32
    %c0_i32_0 = arith.constant 0 : i32
    return %arg0, %c0_i32 : i32, i32
  }
  func.func @transform_2(%arg0: i32) -> (i32, i32) {
    %c0_i32 = arith.constant 0 : i32
    %c0_i32_0 = arith.constant 0 : i32
    return %arg0, %c0_i32 : i32, i32
  }
  func.func @transform_3(%arg0: i32) -> (i32, i32) {
    %c0_i32 = arith.constant 0 : i32
    %c0_i32_0 = arith.constant 0 : i32
    return %arg0, %c0_i32 : i32, i32
  }
  func.func @transform_4(%arg0: i32) -> (i32, i32) {
    %c0_i32 = arith.constant 0 : i32
    %c0_i32_0 = arith.constant 0 : i32
    return %arg0, %c0_i32 : i32, i32
  }
  func.func @transform_5(%arg0: i32) -> (i32, i32) {
    %c0_i32 = arith.constant 0 : i32
    %c0_i32_0 = arith.constant 0 : i32
    return %arg0, %c0_i32 : i32, i32
  }
  func.func @transform_6(%arg0: i32) -> (i32, i32) {
    %c0_i32 = arith.constant 0 : i32
    %c0_i32_0 = arith.constant 0 : i32
    return %arg0, %c0_i32 : i32, i32
  }
  func.func @transform_7(%arg0: i32) -> (i32, i32) {
    %c0_i32 = arith.constant 0 : i32
    %c0_i32_0 = arith.constant 0 : i32
    return %arg0, %c0_i32 : i32, i32
  }
  func.func @transform_8(%arg0: i32) -> (i32, i32, i32) {
    %c0_i32 = arith.constant 0 : i32
    %c0_i32_0 = arith.constant 0 : i32
    %c0_i32_1 = arith.constant 0 : i32
    return %c0_i32, %arg0, %c0_i32_0 : i32, i32, i32
  }
  func.func @transform_9(%arg0: i32) -> (i32, i32) {
    %c0_i32 = arith.constant 0 : i32
    %c0_i32_0 = arith.constant 0 : i32
    return %arg0, %c0_i32 : i32, i32
  }
  func.func @transform_10(%arg0: i32) -> (i32, i32) {
    %c0_i32 = arith.constant 0 : i32
    %c0_i32_0 = arith.constant 0 : i32
    return %arg0, %c0_i32 : i32, i32
  }
  func.func @transform_11(%arg0: i32) -> (i32, i32) {
    %c0_i32 = arith.constant 0 : i32
    %c0_i32_0 = arith.constant 0 : i32
    return %arg0, %c0_i32 : i32, i32
  }
  func.func @transform_12(%arg0: i32) -> (i32, i32, i32) {
    %c0_i32 = arith.constant 0 : i32
    %c0_i32_0 = arith.constant 0 : i32
    %c0_i32_1 = arith.constant 0 : i32
    return %c0_i32, %arg0, %c0_i32_0 : i32, i32, i32
  }
}

</mosaic_0001>

<sc_bundles>
// kernel: kernel.4.cloned.1.call-start
scs
__scs_entry_jumppad:
0x0: {  	(pc) =	sbr.rel $0x88, $3  }
0x1: {  	(tag) =	ssettag $0x0;
	lr =	simm.s32 $0x1  }
0x2: {  	[smem:$0x3F99] =	sst lr;
	_ =	strace $0xD0000000  }
0x3: {  	_ = 	snop  }
0x4: {  	_ = 	snop  }
0x5: {  	_ = 	snop  }
0x6: {  	_ = 	snop  }
0x7: {  	_ = 	snop  }
__scs_overlays_trampoline_lowered:
0x8: {  	[smem:$0x3FA8] =	sst s0  }
0x9: {  	[smem:$0x3FA9] =	sst s1  }
0xa: {  	[smem:$0x3FAA] =	sst s2  }
0xb: {  	[smem:$0x3FAB] =	sst s3  }
0xc: {  	[smem:$0x3FAC] =	sst s4  }
0xd: {  	[smem:$0x3FAD] =	sst s5  }
0xe: {  	[smem:$0x3FAE] =	sst s6  }
0xf: {  	[smem:$0x3FAF] =	sst s7  }
0x10: {  	[smem:$0x3FB0] =	sst s8  }
0x11: {  	[smem:$0x3FB1] =	sst s9;
	s0 =	simm.s32 @!p0 $0x0  }
0x12: {  	s1 =	sld [smem:$0x3F97];
	s0 =	simm.s32 @p0 $0x1  }
0x13: {  	[smem:$0x3FB2] =	sst s0;
	s0 =	simm.s32 @!p1 $0x0  }
0x14: {  	s2 =	sld [smem:$0x3F96];
	s0 =	simm.s32 @p1 $0x1  }
0x15: {  	[smem:$0x3FB3] =	sst s0;
	s0 =	simm.s32 @!p2 $0x0  }
0x16: {  	s3 =	sld [smem:$0x3FDB];
	s0 =	simm.s32 @p2 $0x1  }
0x17: {  	s4 =	simm.s32 $0x1BF5;
	[smem:$0x3FB5] =	sst s0  }
0x18: {  	s0 =	sld [smem:$0x3F98];
	_ =	swait.ge [sflag:s4], $0x0  }
0x19: {  	s7 =	sld [smem:$0x3F99]  }
0x1a: {  	s8 =	sadd.s32 $0xFFFFE003, lr  }
0x1b: {  	s9 =	sadd.s32 $0xFFFFFEF7, lr;
	s5 =	simm.s32 $0xFFFFFFFF;
	p2 =	slt.u32 s8, $0xFFFFF086  }
0x1c: {  	p1 =	slt.u32 s9, $0xF7A;
	s5 =	simm.s32 @!p2 $0x0  }
0x1d: {  	s5 =	simm.s32 @p1 $0x1;
	p0 =	seq.s32 s7, s2  }
0x1e: {  	s7 =	smul.u32 @!p0 $0xF7A, s2;
	p2 =	seq.s32 @!p0 s5, $0x0  }
0x1f: {  	s9 =	smul.u32 $0xF7A, s1;
	s8 =	simm.s32 @!p0 $0x1BF5;
	p2 =	por !p2, p0  }
0x20: {  	[sflag:s8] =	ssyncset.s32 @!p0 $0xFFFFF086;
	s6 =	sadd.s32 @!p0 s3, s7;
	s7 =	simm.s32 @!p0 $0x108  }
0x21: {  	s3 =	sadd.s32 s3, s9;
	s6 =	sadd.s32 @!p0 $0x88, s6;
	s7 =	simm.s32 @p2 $0x1082  }
0x22: {  	[simem:s7], [sflag:s8] =	dma.local @!p0 [hbm:s6], $0xF7A  }
0x23: {  	s9 =	sor.u32 $0xD0000000, s2;
	s6 =	simm.s32 $0x108;
	_ =	swait.ge @!p0 [sflag:s8], $0x0  }
0x24: {  	s3 =	sadd.s32 $0x88, s3;
	s6 =	simm.s32 @!p1 $0x1082;
	[sflag:s4] =	ssyncset.s32 $0xFFFFF086  }
0x25: {  	[simem:s6], [sflag:s4] =	dma.local [hbm:s3], $0xF7A  }
0x26: {  	[smem:$0x3F99] =	sst s1;
	(tag) =	ssettag s2;
	_ =	strace s9  }
0x27: {  	s1 =	sld [smem:$0x3FA9]  }
0x28: {  	s2 =	sld [smem:$0x3FAA]  }
0x29: {  	s4 =	sld [smem:$0x3FAC]  }
0x2a: {  	p0 =	seq.s32 s5, $0x0;
	s5 =	sld [smem:$0x3FAD]  }
0x2b: {  	s6 =	sld [smem:$0x3FAE]  }
0x2c: {  	s7 =	sld [smem:$0x3FAF]  }
0x2d: {  	s3 =	simm.s32 $0x108;
	s8 =	sld [smem:$0x3FB0]  }
0x2e: {  	s3 =	simm.s32 @!p0 $0x1082;
	s9 =	sld [smem:$0x3FB1]  }
0x2f: {  	lr =	sadd.s32 s0, s3;
	s0 =	sld [smem:$0x3FA8]  }
0x30: {  	s3 =	sld [smem:$0x3FAB]  }
0x31: {  	[smem:$0x3FB4] =	sst s10  }
0x32: {  	s10 =	sld [smem:$0x3FB2];
	_ =	sdelay $0x3  }
0x33: {  	p0 =	seq.s32 s10, $0x1;
	s10 =	sld [smem:$0x3FB4];
	_ =	sdelay $0x3  }
0x34: {  	[smem:$0x3FB4] =	sst s10  }
0x35: {  	s10 =	sld [smem:$0x3FB3];
	_ =	sdelay $0x3  }
0x36: {  	p1 =	seq.s32 s10, $0x1;
	s10 =	sld [smem:$0x3FB4];
	_ =	sdelay $0x3  }
0x37: {  	[smem:$0x3FB4] =	sst s10  }
0x38: {  	s10 =	sld [smem:$0x3FB5]  }
0x39: {  	_ = 	snop;
	(pc) =	sbr.ind lr, $3  }
0x3a: {  	_ = 	snop  }
0x3b: {  	_ = 	snop  }
0x3c: {  	p2 =	seq.s32 s10, $0x1;
	s10 =	sld [smem:$0x3FB4]  }
0x3d: {  	_ =	shalt  }
0x3e: {  	_ =	shalt  }
0x3f: {  	_ =	shalt  }
0x40: {  	_ =	shalt  }
0x41: {  	_ =	shalt  }
0x42: {  	_ =	shalt  }
0x43: {  	_ =	shalt  }
0x44: {  	_ =	shalt  }
0x45: {  	_ =	shalt  }
0x46: {  	_ =	shalt  }
0x47: {  	_ =	shalt  }
0x48: {  	_ =	shalt  }
0x49: {  	_ =	shalt  }
0x4a: {  	_ =	shalt  }
0x4b: {  	_ =	shalt  }
0x4c: {  	_ =	shalt  }
0x4d: {  	_ =	shalt  }
0x4e: {  	_ =	shalt  }
0x4f: {  	_ =	shalt  }
0x50: {  	_ =	shalt  }
0x51: {  	_ =	shalt  }
0x52: {  	_ =	shalt  }
0x53: {  	_ =	shalt  }
0x54: {  	_ =	shalt  }
0x55: {  	_ =	shalt  }
0x56: {  	_ =	shalt  }
0x57: {  	_ =	shalt  }
0x58: {  	_ =	shalt  }
0x59: {  	_ =	shalt  }
0x5a: {  	_ =	shalt  }
0x5b: {  	_ =	shalt  }
0x5c: {  	_ =	shalt  }
0x5d: {  	_ =	shalt  }
0x5e: {  	_ =	shalt  }
0x5f: {  	_ =	shalt  }
0x60: {  	_ =	shalt  }
0x61: {  	_ =	shalt  }
0x62: {  	_ =	shalt  }
0x63: {  	_ =	shalt  }
0x64: {  	_ =	shalt  }
0x65: {  	_ =	shalt  }
0x66: {  	_ =	shalt  }
0x67: {  	_ =	shalt  }
0x68: {  	_ =	shalt  }
0x69: {  	_ =	shalt  }
0x6a: {  	_ =	shalt  }
0x6b: {  	_ =	shalt  }
0x6c: {  	_ =	shalt  }
0x6d: {  	_ =	shalt  }
0x6e: {  	_ =	shalt  }
0x6f: {  	_ =	shalt  }
0x70: {  	_ =	shalt  }
0x71: {  	_ =	shalt  }
0x72: {  	_ =	shalt  }
0x73: {  	_ =	shalt  }
0x74: {  	_ =	shalt  }
0x75: {  	_ =	shalt  }
0x76: {  	_ =	shalt  }
0x77: {  	_ =	shalt  }
0x78: {  	_ =	shalt  }
0x79: {  	_ =	shalt  }
0x7a: {  	_ =	shalt  }
0x7b: {  	_ =	shalt  }
0x7c: {  	_ =	shalt  }
0x7d: {  	_ =	shalt  }
0x7e: {  	_ =	shalt  }
0x7f: {  	_ =	shalt  }
0x80: {  	_ =	shalt  }
0x81: {  	_ =	shalt  }
0x82: {  	_ =	shalt  }
0x83: {  	_ =	shalt  }
0x84: {  	_ =	shalt  }
0x85: {  	_ =	shalt  }
0x86: {  	_ =	shalt  }
0x87: {  	_ =	shalt  }
.Lfunc_end0:
.L_simem_size_0:
called_computation_lowered:
.L_overlay_start_0:
0x88: {  	s2 =	sld [smem:$0x3FD9]  }
0x89: {  	s3 =	sld [smem:$0x3FFE];
	_ =	sdelay $0x1  }
0x8a: {  	s1 =	srdreg.scid  }
0x8b: {  	s0 =	sand.u32 $0x1, s1  }
0x8c: {  	s14 =	sshll.u32 s0, $0xA;
	s2 =	sadd.s32 s3, s2  }
0x8d: {  	s2 =	sadd.s32 s2, s14  }
0x8e: {  	[smem:$0x3FC0] =	sst s2  }
0x8f: {  	_ = 	snop  }
0x90: {  	s2 =	sld [smem:$0x3FD0];
	_ =	sdelay $0x2  }
0x91: {  	s15 =	simm.s32 $0xA;
	s4 =	simm.s32 $0x10  }
0x92: {  	[smem:s4], [sflag:s15] =	dma.local [hbm:s2], $0x1  }
0x93: {  	_ =	swait.eq [sflag:s15], $0x1  }
0x94: {  	[sflag:s15] =	ssyncset.done $0x0  }
0x95: {  	[sflag:s15] =	ssyncadd.s32 $0xFFFFFFFF  }
0x96: {  	s16 =	sld [smem:$0x13];
	(tm) =	ssettm $0x1  }
0x97: {  	s17 =	sld [smem:$0x3FFB];
	_ =	sdelay $0x3  }
0x98: {  	_ =	strace s17  }
0x99: {  	s3 =	sld [smem:$0x3FFC];
	_ =	sdelay $0x3  }
0x9a: {  	_ =	strace s3  }
0x9b: {  	s3 =	sld [smem:$0x3FFD];
	_ =	sdelay $0x3  }
0x9c: {  	_ =	strace s3  }
0x9d: {  	_ =	strace $0x8FFFFFFF  }
0x9e: {  	s18 =	sld [smem:$0x3FDB];
	_ =	sdelay $0x1  }
0x9f: {  	s19 =	simm.s32 $_scs_section_size  }
0xa0: {  	s5 =	simm.s32 $_size__tile_overlayer_lowered;
	s6 =	simm.s32 $_tile_overlayer_lowered  }
0xa1: {  	s22 =	simm.s32 $0x1BFF;
	s21 =	sshll.u32 s6, $0x1;
	s3 =	sadd.s32 s19, s18  }
0xa2: {  	s7 =	simm.s32 $0x0;
	s20 =	sshll.u32 s5, $0x1;
	s5 =	sadd.s32 s21, s3  }
0xa3: {  	[timem:s7], [sflag:s22] =	dma.local [hbm:s5], s20  }
0xa4: {  	_ =	swait.ge [sflag:s22], s20  }
0xa5: {  	s4 =	ssub.s32 $0x0, s20;
	[sflag:s22] =	ssyncset.done $0x0  }
0xa6: {  	[sflag:s22] =	ssyncadd.s32 s4;
	_ =	sdelay $0x1  }
0xa7: {  	s23 =	simm.s32 $0x1B8B  }
0xa8: {  	_ =	swait.ge [sflag:s23], $0x1  }
0xa9: {  	[sflag:s23] =	ssyncset.done $0x0  }
0xaa: {  	s25 =	simm.s32 $0x1B8E;
	s24 =	sld [smem:$0x3FFE];
	[sflag:s23] =	ssyncadd.s32 $0xFFFFFFFF  }
0xab: {  	s26 =	simm.s32 $execute0_lowered;
	[smem:$0x3FD2] =	sst s25  }
0xac: {  	s5 =	sshll.u32 s26, $0x1;
	_ =	strace $0x80000046;
	[dreg:$0x1] =	wrdreg $0xFFFFFFFF  }
0xad: {  	s28 =	simm.s32 $_size_execute0_lowered;
	s3 =	sadd.s32 s3, s5;
	[dreg:$0x0] =	wrdreg $0x0  }
0xae: {  	s5 =	sshll.u32 s28, $0x1;
	[dreg:$0x2] =	wrdreg s3  }
0xaf: {  	[dreg:$0x3] =	wrdreg s5  }
0xb0: {  	[dreg:$0x4] =	wrdreg $0xC0  }
0xb1: {  	_ =	task [dreg:s7], $0x5FFFF  }
0xb2: {  	[dreg:$0x1] =	wrdreg $0xFFFFFFFF  }
0xb3: {  	[dreg:$0x0] =	wrdreg $0x60  }
0xb4: {  	[dreg:$0x2] =	wrdreg s24  }
0xb5: {  	[dreg:$0x3] =	wrdreg s16  }
0xb6: {  	[dreg:$0x4] =	wrdreg $0x9  }
0xb7: {  	_ =	task.clear_ibuf [dreg:s7], $0x5FFFF;
	_ =	strace $0x90000046  }
0xb8: {  	s29 =	simm.s32 $0x9;
	_ =	strace $0x80000048  }
0xb9: {  	_ =	swait.ge [sflag:s29], $0x1  }
0xba: {  	[sflag:s29] =	ssyncadd.s32 $0xFFFFFFFF  }
0xbb: {  	_ =	strace $0x90000048  }
0xbc: {  	_ =	sfence  }
0xbd: {  	s30 =	sld [smem:$0x0];
	_ =	sdelay $0x2  }
0xbe: {  	s31 =	sshll.u32 s1, $0xD;
	s1 =	sshrl.u32 s1, $0x2  }
0xbf: {  	s3 =	sand.u32 $0x4000, s31;
	s1 =	sadd.s32 s1, s30  }
0xc0: {  	s0 =	sor.u32 s3, s0;
	s1 =	sshll.u32 s1, $0x11  }
0xc1: {  	s0 =	sor.u32 s1, s0  }
0xc2: {  	s0 =	sadd.s32 $0x8F2B, s0  }
0xc3: {  	[sflag:s0] =	ssyncadd.remote.s32 $0x1  }
0xc4: {  	_ =	sfence.sel $0xFFFF  }
0xc5: {  	[dreg:$0x0] =	wrdreg $0xFFFFFFFF;
	(pc) =	sbr.abs _section_cstart, $3  }
0xc6: {  	[dreg:$0x1] =	wrdreg $0xFFFFFFFF  }
0xc7: {  	_ =	task.clear_ibuf [dreg:s7], $0x2FFFF;
	_ =	strace $0x9FFFFFFF  }
0xc8: {  	(tm) =	ssettm $0x7FFFFFFF  }
0xc9: {  	_ =	shalt  }
tec
execute0_lowered:
.L_overlay_start_1:
0x0: {  	(tag) =	ssettag $0x1  }
0x1: {  	s0 =	srdreg.scid;
	s1 =	stileid.u32  }
0x2: {  	s0 =	sand.u32 $0x1, s0;
	s1 =	sshll.u32 s1, $0x1  }
0x3: {  	s2 =	sor.u32 s0, s1  }
0x4: {  	s8 =	rddreg [dreg:$0x0];
	s28 =	simm.s32 $0x7C00;
	s3 =	smul.u32 $0xF440, s2  }
0x5: {  	p0 =	por $0x0, $0x0;
	s6 =	sadd.s32 $0xFD400, s8;
	s9 =	sadd.s32 $0x13A600, s8  }
0x6: {  	s1 =	rddreg [dreg:$0x1];
	s2 =	simm.s32 $0x0;
	s11 =	sshrl.u32 s3, $0x3  }
0x7: {  	[smem:$0x7FF] =	sst s2;
	s4 =	sadd.s32 $0x1E88, s3;
	s5 =	sadd.s32 s1, s11  }
0x8: {  	_ =	strace $0x80000047;
	s22 =	sadd.s32 s6, s11;
	[dreg:$0x3] =	wrdreg s5  }
0x9: {  	s7 =	sshrl.u32 s4, $0x3;
	s23 =	sadd.s32 s9, s11;
	[dreg:$0x6] =	wrdreg s22  }
0xa: {  	s4 =	sadd.s32 $0xC0200, s8;
	s20 =	sadd.s32 s1, s7;
	[dreg:$0x7] =	wrdreg s23  }
0xb: {  	s10 =	sadd.s32 $0x7A2, s11;
	s21 =	sadd.s32 s4, s11;
	[dreg:$0x4] =	wrdreg s20  }
0xc: {  	s31 =	simm.s32 $0x1;
	s24 =	sadd.s32 s1, s10;
	[dreg:$0x5] =	wrdreg s21  }
0xd: {  	s30 =	simm.s32 $0x2;
	s25 =	sadd.s32 s4, s7;
	[dreg:$0x8] =	wrdreg s24  }
0xe: {  	s12 =	sadd.s32 $0x5B98, s3;
	s26 =	sadd.s32 s6, s7;
	[dreg:$0x9] =	wrdreg s25  }
0xf: {  	s12 =	sshrl.u32 s12, $0x3;
	s13 =	sadd.s32 s9, s7;
	[dreg:$0xa] =	wrdreg s26  }
0x10: {  	s29 =	simm.s32 $0x3;
	s14 =	sadd.s32 s1, s12;
	[dreg:$0xb] =	wrdreg s13  }
0x11: {  	s0 =	ssub.s32 $0x2, s0;
	s15 =	sadd.s32 s4, s10;
	[dreg:$0xc] =	wrdreg s14  }
0x12: {  	s16 =	sadd.s32 s6, s10;
	s17 =	sadd.s32 s9, s10;
	[dreg:$0xd] =	wrdreg s15  }
0x13: {  	s5 =	sadd.s32 $0x2000, s8;
	s7 =	sadd.s32 $0x80C00, s8;
	[dreg:$0xe] =	wrdreg s16  }
0x14: {  	s19 =	sadd.s32 s4, s12;
	s10 =	sadd.s32 $0x41600, s8;
	[dreg:$0xf] =	wrdreg s17  }
0x15: {  	s23 =	sshrl.u32 s0, $0x1;
	s13 =	sadd.s32 $0xF44, s11;
	[dreg:$0x11] =	wrdreg s19  }
0x16: {  	s20 =	sadd.s32 s6, s12;
	s14 =	sadd.s32 $0x98A8, s3;
	s12 =	sadd.s32 s9, s12  }
0x17: {  	s11 =	sadd.s32 $0x16E6, s11;
	s0 =	ssub.s32 s0, s23;
	s3 =	sadd.s32 $0xD5B8, s3  }
0x18: {  	s16 =	simm.s32 $0x5D00;
	s19 =	simm.s32 $0x5;
	s17 =	simm.s32 $0x6  }
0x19: {  	s18 =	sadd.s32 s1, s13;
	[dreg:$0x12] =	wrdreg s20;
	s14 =	sshrl.u32 s14, $0x3  }
0x1a: {  	[dreg:$0x13] =	wrdreg s12;
	s22 =	sadd.s32 s4, s13;
	s24 =	sadd.s32 s6, s13  }
0x1b: {  	s25 =	sadd.s32 s9, s13;
	s26 =	sadd.s32 s1, s11;
	[dreg:$0x10] =	wrdreg s18  }
0x1c: {  	s3 =	sshrl.u32 s3, $0x3;
	s15 =	sadd.s32 s4, s11;
	[dreg:$0x15] =	wrdreg s22  }
0x1d: {  	s13 =	sadd.s32 s9, s11;
	s0 =	smax.u32 s0, $0x1;
	[dreg:$0x16] =	wrdreg s24  }
0x1e: {  	s12 =	simm.s32 $0x9B00;
	s20 =	simm.s32 $0x4;
	[dreg:$0x17] =	wrdreg s25  }
0x1f: {  	s21 =	sadd.s32 s1, s14;
	[dreg:$0x18] =	wrdreg s26;
	s26 =	sadd.s32 s4, s14  }
0x20: {  	s25 =	sadd.s32 s6, s14;
	s23 =	sadd.s32 s9, s14;
	p1 =	sne.s32 s0, $0x1  }
.Ltmp0:
0x21: {  	s22 =	sadd.s32 s1, s3;
	s14 =	sadd.s32 s6, s11;
	(pc) =	sbr.rel @!p1 .LBB2_3-.Ltmp0, $4  }
0x22: {  	s8 =	sadd.s32 s4, s3;
	s6 =	sadd.s32 s6, s3;
	s4 =	sadd.s32 s9, s3  }
0x23: {  	s3 =	simm.s32 $0x7;
	s24 =	simm.s32 $0x1E88;
	s18 =	simm.s32 $0x3E00  }
0x24: {  	s11 =	simm.s32 $0xBA00;
	s1 =	sadd.s32 $0xFFFFFFFF, s0;
	s0 =	rddreg [dreg:$0x3]  }
0x25: {  	s9 =	simm.s32 $0xD900;
	[dreg:$0x14] =	wrdreg s21;
	s21 =	simm.s32 $0x1F00  }
0x26: {  	[tilespmem:s2], [sflag:$0x7] =	stream.linear.gather [hbm4b:s0+s2], $0x1E88, $0x38;
	[tilespmem:$0xF800] =	vst v63  }
0x27: {  	_ =	swait.ge [sflag:s3], $0x1E88  }
0x28: {  	[sflag:s3] =	ssyncset.done $0x0  }
0x29: {  	[sflag:s3] =	ssyncadd.s32 $0xFFFFE178  }
0x2a: {  	[tilespmem:s21], [sflag:$0x1] =	stream.indirect.gather [hbm4b:s5+s24], $0x1, s2, s24, $0xb8;
	[tilespmem:$0xF800] =	vst v63  }
0x2b: {  	_ = 	snop  }
0x2c: {  	[tilespmem:s18], [sflag:$0x2] =	stream.indirect.gather [hbm4b:s7+s24], $0x1, s2, s24, $0xb8;
	[tilespmem:$0xF800] =	vst v63  }
0x2d: {  	_ = 	snop  }
0x2e: {  	[tilespmem:s16], [sflag:$0x3] =	stream.indirect.gather [hbm4b:s10+s24], $0x1, s2, s24, $0xb8;
	[tilespmem:$0xF800] =	vst v63  }
0x2f: {  	s0 =	rddreg [dreg:$0x4]  }
0x30: {  	[tilespmem:s28], [sflag:$0x7] =	stream.linear.gather [hbm4b:s0+s2], $0x1E88, $0x38;
	[tilespmem:$0xF800] =	vst v63  }
0x31: {  	_ =	swait.ge [sflag:s3], $0x1E88  }
0x32: {  	[sflag:s3] =	ssyncset.done $0x0  }
0x33: {  	[sflag:s3] =	ssyncadd.s32 $0xFFFFE178  }
0x34: {  	[tilespmem:s12], [sflag:$0x4] =	stream.indirect.gather [hbm4b:s5+s24], $0x1, s28, s24, $0xb8;
	[tilespmem:$0xF800] =	vst v63  }
0x35: {  	_ = 	snop  }
0x36: {  	[tilespmem:s11], [sflag:$0x5] =	stream.indirect.gather [hbm4b:s7+s24], $0x1, s28, s24, $0xb8;
	[tilespmem:$0xF800] =	vst v63  }
0x37: {  	_ = 	snop  }
0x38: {  	[tilespmem:s9], [sflag:$0x6] =	stream.indirect.gather [hbm4b:s10+s24], $0x1, s28, s24, $0xb8;
	[tilespmem:$0xF800] =	vst v63  }
0x39: {  	_ =	swait.ge [sflag:s31], $0x1E88  }
0x3a: {  	[sflag:s31] =	ssyncset.done $0x0  }
0x3b: {  	[sflag:s31] =	ssyncadd.s32 $0xFFFFE178  }
0x3c: {  	_ =	swait.ge [sflag:s30], $0x1E88  }
0x3d: {  	[sflag:s30] =	ssyncset.done $0x0  }
0x3e: {  	[sflag:s30] =	ssyncadd.s32 $0xFFFFE178  }
0x3f: {  	_ =	swait.ge [sflag:s29], $0x1E88  }
0x40: {  	[sflag:s29] =	ssyncset.done $0x0  }
0x41: {  	s0 =	rddreg [dreg:$0x5];
	[sflag:s29] =	ssyncadd.s32 $0xFFFFE178  }
0x42: {  	[hbm4b:s0+s2] =	stream.linear.scatter [tilespmem:s21], [sflag:$0x7], $0x1E88, $0x38;
	[tilespmem:$0xF800] =	vst v63  }
0x43: {  	_ =	swait.ge [sflag:s3], $0x1E88  }
0x44: {  	[sflag:s3] =	ssyncset.done $0x0  }
0x45: {  	s0 =	rddreg [dreg:$0x6];
	[sflag:s3] =	ssyncadd.s32 $0xFFFFE178  }
0x46: {  	[hbm4b:s0+s2] =	stream.linear.scatter [tilespmem:s18], [sflag:$0x7], $0x1E88, $0x38;
	[tilespmem:$0xF800] =	vst v63  }
0x47: {  	_ =	swait.ge [sflag:s3], $0x1E88  }
0x48: {  	[sflag:s3] =	ssyncset.done $0x0  }
0x49: {  	s0 =	rddreg [dreg:$0x7];
	[sflag:s3] =	ssyncadd.s32 $0xFFFFE178  }
0x4a: {  	[hbm4b:s0+s2] =	stream.linear.scatter [tilespmem:s16], [sflag:$0x7], $0x1E88, $0x38;
	[tilespmem:$0xF800] =	vst v63  }
0x4b: {  	_ =	swait.ge [sflag:s3], $0x1E88  }
0x4c: {  	[sflag:s3] =	ssyncset.done $0x0  }
0x4d: {  	s0 =	rddreg [dreg:$0x8];
	[sflag:s3] =	ssyncadd.s32 $0xFFFFE178  }
0x4e: {  	[tilespmem:s2], [sflag:$0x7] =	stream.linear.gather [hbm4b:s0+s2], $0x1E88, $0x38;
	[tilespmem:$0xF800] =	vst v63  }
0x4f: {  	_ =	swait.ge [sflag:s3], $0x1E88  }
0x50: {  	[sflag:s3] =	ssyncset.done $0x0  }
0x51: {  	[sflag:s3] =	ssyncadd.s32 $0xFFFFE178  }
0x52: {  	[tilespmem:s21], [sflag:$0x1] =	stream.indirect.gather [hbm4b:s5+s24], $0x1, s2, s24, $0xb8;
	[tilespmem:$0xF800] =	vst v63  }
0x53: {  	_ = 	snop  }
0x54: {  	[tilespmem:s18], [sflag:$0x2] =	stream.indirect.gather [hbm4b:s7+s24], $0x1, s2, s24, $0xb8;
	[tilespmem:$0xF800] =	vst v63  }
0x55: {  	_ = 	snop  }
0x56: {  	[tilespmem:s16], [sflag:$0x3] =	stream.indirect.gather [hbm4b:s10+s24], $0x1, s2, s24, $0xb8;
	[tilespmem:$0xF800] =	vst v63  }
0x57: {  	_ =	swait.ge [sflag:s20], $0x1E88  }
0x58: {  	[sflag:s20] =	ssyncset.done $0x0  }
0x59: {  	[sflag:s20] =	ssyncadd.s32 $0xFFFFE178  }
0x5a: {  	_ =	swait.ge [sflag:s19], $0x1E88  }
0x5b: {  	[sflag:s19] =	ssyncset.done $0x0  }
0x5c: {  	[sflag:s19] =	ssyncadd.s32 $0xFFFFE178  }
0x5d: {  	_ =	swait.ge [sflag:s17], $0x1E88  }
0x5e: {  	[sflag:s17] =	ssyncset.done $0x0  }
0x5f: {  	s0 =	rddreg [dreg:$0x9];
	[sflag:s17] =	ssyncadd.s32 $0xFFFFE178  }
0x60: {  	[hbm4b:s0+s2] =	stream.linear.scatter [tilespmem:s12], [sflag:$0x7], $0x1E88, $0x38;
	[tilespmem:$0xF800] =	vst v63  }
0x61: {  	_ =	swait.ge [sflag:s3], $0x1E88  }
0x62: {  	[sflag:s3] =	ssyncset.done $0x0  }
0x63: {  	s0 =	rddreg [dreg:$0xa];
	[sflag:s3] =	ssyncadd.s32 $0xFFFFE178  }
0x64: {  	[hbm4b:s0+s2] =	stream.linear.scatter [tilespmem:s11], [sflag:$0x7], $0x1E88, $0x38;
	[tilespmem:$0xF800] =	vst v63  }
0x65: {  	_ =	swait.ge [sflag:s3], $0x1E88  }
0x66: {  	[sflag:s3] =	ssyncset.done $0x0  }
0x67: {  	s0 =	rddreg [dreg:$0xb];
	[sflag:s3] =	ssyncadd.s32 $0xFFFFE178  }
0x68: {  	[hbm4b:s0+s2] =	stream.linear.scatter [tilespmem:s9], [sflag:$0x7], $0x1E88, $0x38;
	[tilespmem:$0xF800] =	vst v63  }
0x69: {  	_ =	swait.ge [sflag:s3], $0x1E88  }
0x6a: {  	[sflag:s3] =	ssyncset.done $0x0  }
0x6b: {  	s0 =	rddreg [dreg:$0xc];
	[sflag:s3] =	ssyncadd.s32 $0xFFFFE178  }
0x6c: {  	[tilespmem:s28], [sflag:$0x7] =	stream.linear.gather [hbm4b:s0+s2], $0x1E88, $0x38;
	[tilespmem:$0xF800] =	vst v63  }
0x6d: {  	_ =	swait.ge [sflag:s3], $0x1E88  }
0x6e: {  	[sflag:s3] =	ssyncset.done $0x0  }
0x6f: {  	[sflag:s3] =	ssyncadd.s32 $0xFFFFE178  }
0x70: {  	[tilespmem:s12], [sflag:$0x4] =	stream.indirect.gather [hbm4b:s5+s24], $0x1, s28, s24, $0xb8;
	[tilespmem:$0xF800] =	vst v63  }
0x71: {  	_ = 	snop  }
0x72: {  	[tilespmem:s11], [sflag:$0x5] =	stream.indirect.gather [hbm4b:s7+s24], $0x1, s28, s24, $0xb8;
	[tilespmem:$0xF800] =	vst v63  }
0x73: {  	_ = 	snop  }
0x74: {  	[tilespmem:s9], [sflag:$0x6] =	stream.indirect.gather [hbm4b:s10+s24], $0x1, s28, s24, $0xb8;
	[tilespmem:$0xF800] =	vst v63  }
0x75: {  	_ =	swait.ge [sflag:s31], $0x1E88  }
0x76: {  	[sflag:s31] =	ssyncset.done $0x0  }
0x77: {  	[sflag:s31] =	ssyncadd.s32 $0xFFFFE178  }
0x78: {  	_ =	swait.ge [sflag:s30], $0x1E88  }
0x79: {  	[sflag:s30] =	ssyncset.done $0x0  }
0x7a: {  	[sflag:s30] =	ssyncadd.s32 $0xFFFFE178  }
0x7b: {  	_ =	swait.ge [sflag:s29], $0x1E88  }
0x7c: {  	[sflag:s29] =	ssyncset.done $0x0  }
0x7d: {  	s0 =	rddreg [dreg:$0xd];
	[sflag:s29] =	ssyncadd.s32 $0xFFFFE178  }
0x7e: {  	[hbm4b:s0+s2] =	stream.linear.scatter [tilespmem:s21], [sflag:$0x7], $0x1E88, $0x38;
	[tilespmem:$0xF800] =	vst v63  }
0x7f: {  	_ =	swait.ge [sflag:s3], $0x1E88  }
0x80: {  	[sflag:s3] =	ssyncset.done $0x0  }
0x81: {  	s0 =	rddreg [dreg:$0xe];
	[sflag:s3] =	ssyncadd.s32 $0xFFFFE178  }
0x82: {  	[hbm4b:s0+s2] =	stream.linear.scatter [tilespmem:s18], [sflag:$0x7], $0x1E88, $0x38;
	[tilespmem:$0xF800] =	vst v63  }
0x83: {  	_ =	swait.ge [sflag:s3], $0x1E88  }
0x84: {  	[sflag:s3] =	ssyncset.done $0x0  }
0x85: {  	s0 =	rddreg [dreg:$0xf];
	[sflag:s3] =	ssyncadd.s32 $0xFFFFE178  }
0x86: {  	[hbm4b:s0+s2] =	stream.linear.scatter [tilespmem:s16], [sflag:$0x7], $0x1E88, $0x38;
	[tilespmem:$0xF800] =	vst v63  }
0x87: {  	_ =	swait.ge [sflag:s3], $0x1E88  }
0x88: {  	[sflag:s3] =	ssyncset.done $0x0  }
0x89: {  	s0 =	rddreg [dreg:$0x10];
	[sflag:s3] =	ssyncadd.s32 $0xFFFFE178  }
0x8a: {  	[tilespmem:s2], [sflag:$0x7] =	stream.linear.gather [hbm4b:s0+s2], $0x1E88, $0x38;
	[tilespmem:$0xF800] =	vst v63  }
0x8b: {  	_ =	swait.ge [sflag:s3], $0x1E88  }
0x8c: {  	[sflag:s3] =	ssyncset.done $0x0  }
0x8d: {  	[sflag:s3] =	ssyncadd.s32 $0xFFFFE178  }
0x8e: {  	[tilespmem:s21], [sflag:$0x1] =	stream.indirect.gather [hbm4b:s5+s24], $0x1, s2, s24, $0xb8;
	[tilespmem:$0xF800] =	vst v63  }
0x8f: {  	_ = 	snop  }
0x90: {  	[tilespmem:s18], [sflag:$0x2] =	stream.indirect.gather [hbm4b:s7+s24], $0x1, s2, s24, $0xb8;
	[tilespmem:$0xF800] =	vst v63  }
0x91: {  	_ = 	snop  }
0x92: {  	[tilespmem:s16], [sflag:$0x3] =	stream.indirect.gather [hbm4b:s10+s24], $0x1, s2, s24, $0xb8;
	[tilespmem:$0xF800] =	vst v63  }
0x93: {  	_ =	swait.ge [sflag:s20], $0x1E88  }
0x94: {  	[sflag:s20] =	ssyncset.done $0x0  }
0x95: {  	[sflag:s20] =	ssyncadd.s32 $0xFFFFE178  }
0x96: {  	_ =	swait.ge [sflag:s19], $0x1E88  }
0x97: {  	[sflag:s19] =	ssyncset.done $0x0  }
0x98: {  	[sflag:s19] =	ssyncadd.s32 $0xFFFFE178  }
0x99: {  	_ =	swait.ge [sflag:s17], $0x1E88  }
0x9a: {  	[sflag:s17] =	ssyncset.done $0x0  }
0x9b: {  	s0 =	rddreg [dreg:$0x11];
	[sflag:s17] =	ssyncadd.s32 $0xFFFFE178  }
0x9c: {  	[hbm4b:s0+s2] =	stream.linear.scatter [tilespmem:s12], [sflag:$0x7], $0x1E88, $0x38;
	[tilespmem:$0xF800] =	vst v63  }
0x9d: {  	_ =	swait.ge [sflag:s3], $0x1E88  }
0x9e: {  	[sflag:s3] =	ssyncset.done $0x0  }
0x9f: {  	s0 =	rddreg [dreg:$0x12];
	[sflag:s3] =	ssyncadd.s32 $0xFFFFE178  }
0xa0: {  	[hbm4b:s0+s2] =	stream.linear.scatter [tilespmem:s11], [sflag:$0x7], $0x1E88, $0x38;
	[tilespmem:$0xF800] =	vst v63  }
0xa1: {  	_ =	swait.ge [sflag:s3], $0x1E88  }
0xa2: {  	[sflag:s3] =	ssyncset.done $0x0  }
0xa3: {  	s0 =	rddreg [dreg:$0x13];
	[sflag:s3] =	ssyncadd.s32 $0xFFFFE178  }
0xa4: {  	[hbm4b:s0+s2] =	stream.linear.scatter [tilespmem:s9], [sflag:$0x7], $0x1E88, $0x38;
	[tilespmem:$0xF800] =	vst v63  }
0xa5: {  	_ =	swait.ge [sflag:s3], $0x1E88  }
0xa6: {  	[sflag:s3] =	ssyncset.done $0x0  }
0xa7: {  	s0 =	rddreg [dreg:$0x14];
	[sflag:s3] =	ssyncadd.s32 $0xFFFFE178  }
0xa8: {  	[tilespmem:s28], [sflag:$0x7] =	stream.linear.gather [hbm4b:s0+s2], $0x1E88, $0x38;
	[tilespmem:$0xF800] =	vst v63  }
0xa9: {  	_ =	swait.ge [sflag:s3], $0x1E88  }
0xaa: {  	[sflag:s3] =	ssyncset.done $0x0  }
0xab: {  	[sflag:s3] =	ssyncadd.s32 $0xFFFFE178  }
0xac: {  	[tilespmem:s12], [sflag:$0x4] =	stream.indirect.gather [hbm4b:s5+s24], $0x1, s28, s24, $0xb8;
	[tilespmem:$0xF800] =	vst v63  }
0xad: {  	_ = 	snop  }
0xae: {  	[tilespmem:s11], [sflag:$0x5] =	stream.indirect.gather [hbm4b:s7+s24], $0x1, s28, s24, $0xb8;
	[tilespmem:$0xF800] =	vst v63  }
0xaf: {  	_ = 	snop  }
0xb0: {  	[tilespmem:s9], [sflag:$0x6] =	stream.indirect.gather [hbm4b:s10+s24], $0x1, s28, s24, $0xb8;
	[tilespmem:$0xF800] =	vst v63  }
0xb1: {  	_ =	swait.ge [sflag:s31], $0x1E88  }
0xb2: {  	[sflag:s31] =	ssyncset.done $0x0  }
0xb3: {  	[sflag:s31] =	ssyncadd.s32 $0xFFFFE178  }
0xb4: {  	_ =	swait.ge [sflag:s30], $0x1E88  }
0xb5: {  	[sflag:s30] =	ssyncset.done $0x0  }
0xb6: {  	[sflag:s30] =	ssyncadd.s32 $0xFFFFE178  }
0xb7: {  	_ =	swait.ge [sflag:s29], $0x1E88  }
0xb8: {  	[sflag:s29] =	ssyncset.done $0x0  }
0xb9: {  	s0 =	rddreg [dreg:$0x15];
	[sflag:s29] =	ssyncadd.s32 $0xFFFFE178  }
0xba: {  	[hbm4b:s0+s2] =	stream.linear.scatter [tilespmem:s21], [sflag:$0x7], $0x1E88, $0x38;
	[tilespmem:$0xF800] =	vst v63  }
0xbb: {  	_ =	swait.ge [sflag:s3], $0x1E88  }
0xbc: {  	[sflag:s3] =	ssyncset.done $0x0  }
0xbd: {  	s0 =	rddreg [dreg:$0x16];
	[sflag:s3] =	ssyncadd.s32 $0xFFFFE178  }
0xbe: {  	[hbm4b:s0+s2] =	stream.linear.scatter [tilespmem:s18], [sflag:$0x7], $0x1E88, $0x38;
	[tilespmem:$0xF800] =	vst v63  }
0xbf: {  	_ =	swait.ge [sflag:s3], $0x1E88  }
0xc0: {  	[sflag:s3] =	ssyncset.done $0x0  }
0xc1: {  	s0 =	rddreg [dreg:$0x17];
	[sflag:s3] =	ssyncadd.s32 $0xFFFFE178  }
0xc2: {  	[hbm4b:s0+s2] =	stream.linear.scatter [tilespmem:s16], [sflag:$0x7], $0x1E88, $0x38;
	[tilespmem:$0xF800] =	vst v63  }
0xc3: {  	_ =	swait.ge [sflag:s3], $0x1E88  }
0xc4: {  	[sflag:s3] =	ssyncset.done $0x0  }
0xc5: {  	s0 =	rddreg [dreg:$0x18];
	[sflag:s3] =	ssyncadd.s32 $0xFFFFE178  }
0xc6: {  	[tilespmem:s2], [sflag:$0x7] =	stream.linear.gather [hbm4b:s0+s2], $0x1E88, $0x38;
	[tilespmem:$0xF800] =	vst v63  }
0xc7: {  	_ =	swait.ge [sflag:s3], $0x1E88  }
0xc8: {  	[sflag:s3] =	ssyncset.done $0x0  }
0xc9: {  	[sflag:s3] =	ssyncadd.s32 $0xFFFFE178  }
0xca: {  	[tilespmem:s21], [sflag:$0x1] =	stream.indirect.gather [hbm4b:s5+s24], $0x1, s2, s24, $0xb8;
	[tilespmem:$0xF800] =	vst v63  }
0xcb: {  	_ = 	snop  }
0xcc: {  	[tilespmem:s18], [sflag:$0x2] =	stream.indirect.gather [hbm4b:s7+s24], $0x1, s2, s24, $0xb8;
	[tilespmem:$0xF800] =	vst v63  }
0xcd: {  	_ = 	snop  }
0xce: {  	[tilespmem:s16], [sflag:$0x3] =	stream.indirect.gather [hbm4b:s10+s24], $0x1, s2, s24, $0xb8;
	[tilespmem:$0xF800] =	vst v63  }
0xcf: {  	_ =	swait.ge [sflag:s20], $0x1E88  }
0xd0: {  	[sflag:s20] =	ssyncset.done $0x0  }
0xd1: {  	[sflag:s20] =	ssyncadd.s32 $0xFFFFE178  }
0xd2: {  	_ =	swait.ge [sflag:s19], $0x1E88  }
0xd3: {  	[sflag:s19] =	ssyncset.done $0x0  }
0xd4: {  	[sflag:s19] =	ssyncadd.s32 $0xFFFFE178  }
0xd5: {  	_ =	swait.ge [sflag:s17], $0x1E88  }
0xd6: {  	[sflag:s17] =	ssyncset.done $0x0  }
0xd7: {  	[sflag:s17] =	ssyncadd.s32 $0xFFFFE178  }
0xd8: {  	[hbm4b:s26+s2] =	stream.linear.scatter [tilespmem:s12], [sflag:$0x7], $0x1E88, $0x38;
	[tilespmem:$0xF800] =	vst v63  }
0xd9: {  	_ =	swait.ge [sflag:s3], $0x1E88  }
0xda: {  	[sflag:s3] =	ssyncset.done $0x0  }
0xdb: {  	[sflag:s3] =	ssyncadd.s32 $0xFFFFE178  }
0xdc: {  	[hbm4b:s25+s2] =	stream.linear.scatter [tilespmem:s11], [sflag:$0x7], $0x1E88, $0x38;
	[tilespmem:$0xF800] =	vst v63  }
0xdd: {  	_ =	swait.ge [sflag:s3], $0x1E88  }
0xde: {  	[sflag:s3] =	ssyncset.done $0x0  }
0xdf: {  	[sflag:s3] =	ssyncadd.s32 $0xFFFFE178  }
0xe0: {  	[hbm4b:s23+s2] =	stream.linear.scatter [tilespmem:s9], [sflag:$0x7], $0x1E88, $0x38;
	[tilespmem:$0xF800] =	vst v63  }
0xe1: {  	_ =	swait.ge [sflag:s3], $0x1E88  }
0xe2: {  	[sflag:s3] =	ssyncset.done $0x0  }
0xe3: {  	[sflag:s3] =	ssyncadd.s32 $0xFFFFE178  }
0xe4: {  	[tilespmem:s28], [sflag:$0x7] =	stream.linear.gather [hbm4b:s22+s2], $0x1E88, $0x38;
	[tilespmem:$0xF800] =	vst v63  }
0xe5: {  	_ =	swait.ge [sflag:s3], $0x1E88  }
0xe6: {  	[sflag:s3] =	ssyncset.done $0x0  }
0xe7: {  	[sflag:s3] =	ssyncadd.s32 $0xFFFFE178  }
0xe8: {  	[tilespmem:s12], [sflag:$0x4] =	stream.indirect.gather [hbm4b:s5+s24], $0x1, s28, s24, $0xb8;
	[tilespmem:$0xF800] =	vst v63  }
0xe9: {  	_ = 	snop  }
0xea: {  	[tilespmem:s11], [sflag:$0x5] =	stream.indirect.gather [hbm4b:s7+s24], $0x1, s28, s24, $0xb8;
	[tilespmem:$0xF800] =	vst v63  }
0xeb: {  	_ = 	snop  }
0xec: {  	[tilespmem:s9], [sflag:$0x6] =	stream.indirect.gather [hbm4b:s10+s24], $0x1, s28, s24, $0xb8;
	[tilespmem:$0xF800] =	vst v63  }
0xed: {  	_ =	swait.ge [sflag:s31], $0x1E88  }
0xee: {  	[sflag:s31] =	ssyncset.done $0x0  }
0xef: {  	[sflag:s31] =	ssyncadd.s32 $0xFFFFE178  }
0xf0: {  	_ =	swait.ge [sflag:s30], $0x1E88  }
0xf1: {  	[sflag:s30] =	ssyncset.done $0x0  }
0xf2: {  	[sflag:s30] =	ssyncadd.s32 $0xFFFFE178  }
0xf3: {  	_ =	swait.ge [sflag:s29], $0x1E88  }
0xf4: {  	[sflag:s29] =	ssyncset.done $0x0  }
0xf5: {  	[sflag:s29] =	ssyncadd.s32 $0xFFFFE178  }
0xf6: {  	[hbm4b:s15+s2] =	stream.linear.scatter [tilespmem:s21], [sflag:$0x7], $0x1E88, $0x38;
	[tilespmem:$0xF800] =	vst v63  }
0xf7: {  	_ =	swait.ge [sflag:s3], $0x1E88  }
0xf8: {  	[sflag:s3] =	ssyncset.done $0x0  }
0xf9: {  	[sflag:s3] =	ssyncadd.s32 $0xFFFFE178  }
0xfa: {  	[hbm4b:s14+s2] =	stream.linear.scatter [tilespmem:s18], [sflag:$0x7], $0x1E88, $0x38;
	[tilespmem:$0xF800] =	vst v63  }
0xfb: {  	_ =	swait.ge [sflag:s3], $0x1E88  }
0xfc: {  	[sflag:s3] =	ssyncset.done $0x0  }
0xfd: {  	[sflag:s3] =	ssyncadd.s32 $0xFFFFE178  }
0xfe: {  	[hbm4b:s13+s2] =	stream.linear.scatter [tilespmem:s16], [sflag:$0x7], $0x1E88, $0x38;
	[tilespmem:$0xF800] =	vst v63  }
0xff: {  	_ =	swait.ge [sflag:s3], $0x1E88  }
0x100: {  	[sflag:s3] =	ssyncset.done $0x0  }
0x101: {  	[sflag:s3] =	ssyncadd.s32 $0xFFFFE178  }
0x102: {  	_ =	swait.ge [sflag:s20], $0x1E88  }
0x103: {  	[sflag:s20] =	ssyncset.done $0x0  }
0x104: {  	[sflag:s20] =	ssyncadd.s32 $0xFFFFE178  }
0x105: {  	_ =	swait.ge [sflag:s19], $0x1E88  }
0x106: {  	[sflag:s19] =	ssyncset.done $0x0  }
0x107: {  	[sflag:s19] =	ssyncadd.s32 $0xFFFFE178  }
0x108: {  	_ =	swait.ge [sflag:s17], $0x1E88  }
0x109: {  	[sflag:s17] =	ssyncset.done $0x0  }
0x10a: {  	[sflag:s17] =	ssyncadd.s32 $0xFFFFE178  }
0x10b: {  	[hbm4b:s8+s2] =	stream.linear.scatter [tilespmem:s12], [sflag:$0x7], $0x1E88, $0x38;
	[tilespmem:$0xF800] =	vst v63  }
0x10c: {  	_ =	swait.ge [sflag:s3], $0x1E88  }
0x10d: {  	[sflag:s3] =	ssyncset.done $0x0  }
0x10e: {  	[sflag:s3] =	ssyncadd.s32 $0xFFFFE178  }
0x10f: {  	[hbm4b:s6+s2] =	stream.linear.scatter [tilespmem:s11], [sflag:$0x7], $0x1E88, $0x38;
	[tilespmem:$0xF800] =	vst v63  }
0x110: {  	p1 =	sne.s32 s1, $0x1;
	_ =	swait.ge [sflag:s3], $0x1E88  }
.Ltmp1:
0x111: {  	[sflag:s3] =	ssyncset.done $0x0;
	(pc) =	sbr.rel @!p1 .LBB2_3-.Ltmp1, $4  }
0x112: {  	[sflag:s3] =	ssyncadd.s32 $0xFFFFE178  }
0x113: {  	[hbm4b:s4+s2] =	stream.linear.scatter [tilespmem:s9], [sflag:$0x7], $0x1E88, $0x38;
	[tilespmem:$0xF800] =	vst v63  }
0x114: {  	s1 =	sadd.s32 $0xFFFFFFFF, s1;
	_ =	swait.ge [sflag:s3], $0x1E88  }
0x115: {  	p0 =	por $0x1, $0x1;
	s0 =	rddreg [dreg:$0x3];
	[sflag:s3] =	ssyncset.done $0x0  }
.LBB2_2:
0x116: {  	[sflag:s3] =	ssyncadd.s32 $0xFFFFE178  }
0x117: {  	[tilespmem:s2], [sflag:$0x7] =	stream.linear.gather [hbm4b:s0+s2], $0x1E88, $0x38;
	[tilespmem:$0xF800] =	vst v63  }
0x118: {  	_ =	swait.ge [sflag:s3], $0x1E88  }
0x119: {  	[sflag:s3] =	ssyncset.done $0x0  }
0x11a: {  	[sflag:s3] =	ssyncadd.s32 $0xFFFFE178  }
0x11b: {  	[tilespmem:s21], [sflag:$0x1] =	stream.indirect.gather [hbm4b:s5+s24], $0x1, s2, s24, $0xb8;
	[tilespmem:$0xF800] =	vst v63  }
0x11c: {  	_ = 	snop  }
0x11d: {  	[tilespmem:s18], [sflag:$0x2] =	stream.indirect.gather [hbm4b:s7+s24], $0x1, s2, s24, $0xb8;
	[tilespmem:$0xF800] =	vst v63  }
0x11e: {  	_ = 	snop  }
0x11f: {  	[tilespmem:s16], [sflag:$0x3] =	stream.indirect.gather [hbm4b:s10+s24], $0x1, s2, s24, $0xb8;
	[tilespmem:$0xF800] =	vst v63  }
0x120: {  	s0 =	rddreg [dreg:$0x4]  }
0x121: {  	[tilespmem:s28], [sflag:$0x7] =	stream.linear.gather [hbm4b:s0+s2], $0x1E88, $0x38;
	[tilespmem:$0xF800] =	vst v63  }
0x122: {  	_ =	swait.ge [sflag:s3], $0x1E88  }
0x123: {  	[sflag:s3] =	ssyncset.done $0x0  }
0x124: {  	[sflag:s3] =	ssyncadd.s32 $0xFFFFE178  }
0x125: {  	[tilespmem:s12], [sflag:$0x4] =	stream.indirect.gather [hbm4b:s5+s24], $0x1, s28, s24, $0xb8;
	[tilespmem:$0xF800] =	vst v63  }
0x126: {  	_ = 	snop  }
0x127: {  	[tilespmem:s11], [sflag:$0x5] =	stream.indirect.gather [hbm4b:s7+s24], $0x1, s28, s24, $0xb8;
	[tilespmem:$0xF800] =	vst v63  }
0x128: {  	_ = 	snop  }
0x129: {  	[tilespmem:s9], [sflag:$0x6] =	stream.indirect.gather [hbm4b:s10+s24], $0x1, s28, s24, $0xb8;
	[tilespmem:$0xF800] =	vst v63  }
0x12a: {  	_ =	swait.ge [sflag:s31], $0x1E88  }
0x12b: {  	[sflag:s31] =	ssyncset.done $0x0  }
0x12c: {  	[sflag:s31] =	ssyncadd.s32 $0xFFFFE178  }
0x12d: {  	_ =	swait.ge [sflag:s30], $0x1E88  }
0x12e: {  	[sflag:s30] =	ssyncset.done $0x0  }
0x12f: {  	[sflag:s30] =	ssyncadd.s32 $0xFFFFE178  }
0x130: {  	_ =	swait.ge [sflag:s29], $0x1E88  }
0x131: {  	[sflag:s29] =	ssyncset.done $0x0  }
0x132: {  	s0 =	rddreg [dreg:$0x5];
	[sflag:s29] =	ssyncadd.s32 $0xFFFFE178  }
0x133: {  	[hbm4b:s0+s2] =	stream.linear.scatter [tilespmem:s21], [sflag:$0x7], $0x1E88, $0x38;
	[tilespmem:$0xF800] =	vst v63  }
0x134: {  	_ =	swait.ge [sflag:s3], $0x1E88  }
0x135: {  	[sflag:s3] =	ssyncset.done $0x0  }
0x136: {  	s0 =	rddreg [dreg:$0x6];
	[sflag:s3] =	ssyncadd.s32 $0xFFFFE178  }
0x137: {  	[hbm4b:s0+s2] =	stream.linear.scatter [tilespmem:s18], [sflag:$0x7], $0x1E88, $0x38;
	[tilespmem:$0xF800] =	vst v63  }
0x138: {  	_ =	swait.ge [sflag:s3], $0x1E88  }
0x139: {  	[sflag:s3] =	ssyncset.done $0x0  }
0x13a: {  	s0 =	rddreg [dreg:$0x7];
	[sflag:s3] =	ssyncadd.s32 $0xFFFFE178  }
0x13b: {  	[hbm4b:s0+s2] =	stream.linear.scatter [tilespmem:s16], [sflag:$0x7], $0x1E88, $0x38;
	[tilespmem:$0xF800] =	vst v63  }
0x13c: {  	_ =	swait.ge [sflag:s3], $0x1E88  }
0x13d: {  	[sflag:s3] =	ssyncset.done $0x0  }
0x13e: {  	s0 =	rddreg [dreg:$0x8];
	[sflag:s3] =	ssyncadd.s32 $0xFFFFE178  }
0x13f: {  	[tilespmem:s2], [sflag:$0x7] =	stream.linear.gather [hbm4b:s0+s2], $0x1E88, $0x38;
	[tilespmem:$0xF800] =	vst v63  }
0x140: {  	_ =	swait.ge [sflag:s3], $0x1E88  }
0x141: {  	[sflag:s3] =	ssyncset.done $0x0  }
0x142: {  	[sflag:s3] =	ssyncadd.s32 $0xFFFFE178  }
0x143: {  	[tilespmem:s21], [sflag:$0x1] =	stream.indirect.gather [hbm4b:s5+s24], $0x1, s2, s24, $0xb8;
	[tilespmem:$0xF800] =	vst v63  }
0x144: {  	_ = 	snop  }
0x145: {  	[tilespmem:s18], [sflag:$0x2] =	stream.indirect.gather [hbm4b:s7+s24], $0x1, s2, s24, $0xb8;
	[tilespmem:$0xF800] =	vst v63  }
0x146: {  	_ = 	snop  }
0x147: {  	[tilespmem:s16], [sflag:$0x3] =	stream.indirect.gather [hbm4b:s10+s24], $0x1, s2, s24, $0xb8;
	[tilespmem:$0xF800] =	vst v63  }
0x148: {  	_ =	swait.ge [sflag:s20], $0x1E88  }
0x149: {  	[sflag:s20] =	ssyncset.done $0x0  }
0x14a: {  	[sflag:s20] =	ssyncadd.s32 $0xFFFFE178  }
0x14b: {  	_ =	swait.ge [sflag:s19], $0x1E88  }
0x14c: {  	[sflag:s19] =	ssyncset.done $0x0  }
0x14d: {  	[sflag:s19] =	ssyncadd.s32 $0xFFFFE178  }
0x14e: {  	_ =	swait.ge [sflag:s17], $0x1E88  }
0x14f: {  	[sflag:s17] =	ssyncset.done $0x0  }
0x150: {  	s0 =	rddreg [dreg:$0x9];
	[sflag:s17] =	ssyncadd.s32 $0xFFFFE178  }
0x151: {  	[hbm4b:s0+s2] =	stream.linear.scatter [tilespmem:s12], [sflag:$0x7], $0x1E88, $0x38;
	[tilespmem:$0xF800] =	vst v63  }
0x152: {  	_ =	swait.ge [sflag:s3], $0x1E88  }
0x153: {  	[sflag:s3] =	ssyncset.done $0x0  }
0x154: {  	s0 =	rddreg [dreg:$0xa];
	[sflag:s3] =	ssyncadd.s32 $0xFFFFE178  }
0x155: {  	[hbm4b:s0+s2] =	stream.linear.scatter [tilespmem:s11], [sflag:$0x7], $0x1E88, $0x38;
	[tilespmem:$0xF800] =	vst v63  }
0x156: {  	_ =	swait.ge [sflag:s3], $0x1E88  }
0x157: {  	[sflag:s3] =	ssyncset.done $0x0  }
0x158: {  	s0 =	rddreg [dreg:$0xb];
	[sflag:s3] =	ssyncadd.s32 $0xFFFFE178  }
0x159: {  	[hbm4b:s0+s2] =	stream.linear.scatter [tilespmem:s9], [sflag:$0x7], $0x1E88, $0x38;
	[tilespmem:$0xF800] =	vst v63  }
0x15a: {  	_ =	swait.ge [sflag:s3], $0x1E88  }
0x15b: {  	[sflag:s3] =	ssyncset.done $0x0  }
0x15c: {  	s0 =	rddreg [dreg:$0xc];
	[sflag:s3] =	ssyncadd.s32 $0xFFFFE178  }
0x15d: {  	[tilespmem:s28], [sflag:$0x7] =	stream.linear.gather [hbm4b:s0+s2], $0x1E88, $0x38;
	[tilespmem:$0xF800] =	vst v63  }
0x15e: {  	_ =	swait.ge [sflag:s3], $0x1E88  }
0x15f: {  	[sflag:s3] =	ssyncset.done $0x0  }
0x160: {  	[sflag:s3] =	ssyncadd.s32 $0xFFFFE178  }
0x161: {  	[tilespmem:s12], [sflag:$0x4] =	stream.indirect.gather [hbm4b:s5+s24], $0x1, s28, s24, $0xb8;
	[tilespmem:$0xF800] =	vst v63  }
0x162: {  	_ = 	snop  }
0x163: {  	[tilespmem:s11], [sflag:$0x5] =	stream.indirect.gather [hbm4b:s7+s24], $0x1, s28, s24, $0xb8;
	[tilespmem:$0xF800] =	vst v63  }
0x164: {  	_ = 	snop  }
0x165: {  	[tilespmem:s9], [sflag:$0x6] =	stream.indirect.gather [hbm4b:s10+s24], $0x1, s28, s24, $0xb8;
	[tilespmem:$0xF800] =	vst v63  }
0x166: {  	_ =	swait.ge [sflag:s31], $0x1E88  }
0x167: {  	[sflag:s31] =	ssyncset.done $0x0  }
0x168: {  	[sflag:s31] =	ssyncadd.s32 $0xFFFFE178  }
0x169: {  	_ =	swait.ge [sflag:s30], $0x1E88  }
0x16a: {  	[sflag:s30] =	ssyncset.done $0x0  }
0x16b: {  	[sflag:s30] =	ssyncadd.s32 $0xFFFFE178  }
0x16c: {  	_ =	swait.ge [sflag:s29], $0x1E88  }
0x16d: {  	[sflag:s29] =	ssyncset.done $0x0  }
0x16e: {  	s0 =	rddreg [dreg:$0xd];
	[sflag:s29] =	ssyncadd.s32 $0xFFFFE178  }
0x16f: {  	[hbm4b:s0+s2] =	stream.linear.scatter [tilespmem:s21], [sflag:$0x7], $0x1E88, $0x38;
	[tilespmem:$0xF800] =	vst v63  }
0x170: {  	_ =	swait.ge [sflag:s3], $0x1E88  }
0x171: {  	[sflag:s3] =	ssyncset.done $0x0  }
0x172: {  	s0 =	rddreg [dreg:$0xe];
	[sflag:s3] =	ssyncadd.s32 $0xFFFFE178  }
0x173: {  	[hbm4b:s0+s2] =	stream.linear.scatter [tilespmem:s18], [sflag:$0x7], $0x1E88, $0x38;
	[tilespmem:$0xF800] =	vst v63  }
0x174: {  	_ =	swait.ge [sflag:s3], $0x1E88  }
0x175: {  	[sflag:s3] =	ssyncset.done $0x0  }
0x176: {  	s0 =	rddreg [dreg:$0xf];
	[sflag:s3] =	ssyncadd.s32 $0xFFFFE178  }
0x177: {  	[hbm4b:s0+s2] =	stream.linear.scatter [tilespmem:s16], [sflag:$0x7], $0x1E88, $0x38;
	[tilespmem:$0xF800] =	vst v63  }
0x178: {  	_ =	swait.ge [sflag:s3], $0x1E88  }
0x179: {  	[sflag:s3] =	ssyncset.done $0x0  }
0x17a: {  	s0 =	rddreg [dreg:$0x10];
	[sflag:s3] =	ssyncadd.s32 $0xFFFFE178  }
0x17b: {  	[tilespmem:s2], [sflag:$0x7] =	stream.linear.gather [hbm4b:s0+s2], $0x1E88, $0x38;
	[tilespmem:$0xF800] =	vst v63  }
0x17c: {  	_ =	swait.ge [sflag:s3], $0x1E88  }
0x17d: {  	[sflag:s3] =	ssyncset.done $0x0  }
0x17e: {  	[sflag:s3] =	ssyncadd.s32 $0xFFFFE178  }
0x17f: {  	[tilespmem:s21], [sflag:$0x1] =	stream.indirect.gather [hbm4b:s5+s24], $0x1, s2, s24, $0xb8;
	[tilespmem:$0xF800] =	vst v63  }
0x180: {  	_ = 	snop  }
0x181: {  	[tilespmem:s18], [sflag:$0x2] =	stream.indirect.gather [hbm4b:s7+s24], $0x1, s2, s24, $0xb8;
	[tilespmem:$0xF800] =	vst v63  }
0x182: {  	_ = 	snop  }
0x183: {  	[tilespmem:s16], [sflag:$0x3] =	stream.indirect.gather [hbm4b:s10+s24], $0x1, s2, s24, $0xb8;
	[tilespmem:$0xF800] =	vst v63  }
0x184: {  	_ =	swait.ge [sflag:s20], $0x1E88  }
0x185: {  	[sflag:s20] =	ssyncset.done $0x0  }
0x186: {  	[sflag:s20] =	ssyncadd.s32 $0xFFFFE178  }
0x187: {  	_ =	swait.ge [sflag:s19], $0x1E88  }
0x188: {  	[sflag:s19] =	ssyncset.done $0x0  }
0x189: {  	[sflag:s19] =	ssyncadd.s32 $0xFFFFE178  }
0x18a: {  	_ =	swait.ge [sflag:s17], $0x1E88  }
0x18b: {  	[sflag:s17] =	ssyncset.done $0x0  }
0x18c: {  	s0 =	rddreg [dreg:$0x11];
	[sflag:s17] =	ssyncadd.s32 $0xFFFFE178  }
0x18d: {  	[hbm4b:s0+s2] =	stream.linear.scatter [tilespmem:s12], [sflag:$0x7], $0x1E88, $0x38;
	[tilespmem:$0xF800] =	vst v63  }
0x18e: {  	_ =	swait.ge [sflag:s3], $0x1E88  }
0x18f: {  	[sflag:s3] =	ssyncset.done $0x0  }
0x190: {  	s0 =	rddreg [dreg:$0x12];
	[sflag:s3] =	ssyncadd.s32 $0xFFFFE178  }
0x191: {  	[hbm4b:s0+s2] =	stream.linear.scatter [tilespmem:s11], [sflag:$0x7], $0x1E88, $0x38;
	[tilespmem:$0xF800] =	vst v63  }
0x192: {  	_ =	swait.ge [sflag:s3], $0x1E88  }
0x193: {  	[sflag:s3] =	ssyncset.done $0x0  }
0x194: {  	s0 =	rddreg [dreg:$0x13];
	[sflag:s3] =	ssyncadd.s32 $0xFFFFE178  }
0x195: {  	[hbm4b:s0+s2] =	stream.linear.scatter [tilespmem:s9], [sflag:$0x7], $0x1E88, $0x38;
	[tilespmem:$0xF800] =	vst v63  }
0x196: {  	_ =	swait.ge [sflag:s3], $0x1E88  }
0x197: {  	[sflag:s3] =	ssyncset.done $0x0  }
0x198: {  	s0 =	rddreg [dreg:$0x14];
	[sflag:s3] =	ssyncadd.s32 $0xFFFFE178  }
0x199: {  	[tilespmem:s28], [sflag:$0x7] =	stream.linear.gather [hbm4b:s0+s2], $0x1E88, $0x38;
	[tilespmem:$0xF800] =	vst v63  }
0x19a: {  	_ =	swait.ge [sflag:s3], $0x1E88  }
0x19b: {  	[sflag:s3] =	ssyncset.done $0x0  }
0x19c: {  	[sflag:s3] =	ssyncadd.s32 $0xFFFFE178  }
0x19d: {  	[tilespmem:s12], [sflag:$0x4] =	stream.indirect.gather [hbm4b:s5+s24], $0x1, s28, s24, $0xb8;
	[tilespmem:$0xF800] =	vst v63  }
0x19e: {  	_ = 	snop  }
0x19f: {  	[tilespmem:s11], [sflag:$0x5] =	stream.indirect.gather [hbm4b:s7+s24], $0x1, s28, s24, $0xb8;
	[tilespmem:$0xF800] =	vst v63  }
0x1a0: {  	_ = 	snop  }
0x1a1: {  	[tilespmem:s9], [sflag:$0x6] =	stream.indirect.gather [hbm4b:s10+s24], $0x1, s28, s24, $0xb8;
	[tilespmem:$0xF800] =	vst v63  }
0x1a2: {  	_ =	swait.ge [sflag:s31], $0x1E88  }
0x1a3: {  	[sflag:s31] =	ssyncset.done $0x0  }
0x1a4: {  	[sflag:s31] =	ssyncadd.s32 $0xFFFFE178  }
0x1a5: {  	_ =	swait.ge [sflag:s30], $0x1E88  }
0x1a6: {  	[sflag:s30] =	ssyncset.done $0x0  }
0x1a7: {  	[sflag:s30] =	ssyncadd.s32 $0xFFFFE178  }
0x1a8: {  	_ =	swait.ge [sflag:s29], $0x1E88  }
0x1a9: {  	[sflag:s29] =	ssyncset.done $0x0  }
0x1aa: {  	s0 =	rddreg [dreg:$0x15];
	[sflag:s29] =	ssyncadd.s32 $0xFFFFE178  }
0x1ab: {  	[hbm4b:s0+s2] =	stream.linear.scatter [tilespmem:s21], [sflag:$0x7], $0x1E88, $0x38;
	[tilespmem:$0xF800] =	vst v63  }
0x1ac: {  	_ =	swait.ge [sflag:s3], $0x1E88  }
0x1ad: {  	[sflag:s3] =	ssyncset.done $0x0  }
0x1ae: {  	s0 =	rddreg [dreg:$0x16];
	[sflag:s3] =	ssyncadd.s32 $0xFFFFE178  }
0x1af: {  	[hbm4b:s0+s2] =	stream.linear.scatter [tilespmem:s18], [sflag:$0x7], $0x1E88, $0x38;
	[tilespmem:$0xF800] =	vst v63  }
0x1b0: {  	_ =	swait.ge [sflag:s3], $0x1E88  }
0x1b1: {  	[sflag:s3] =	ssyncset.done $0x0  }
0x1b2: {  	s0 =	rddreg [dreg:$0x17];
	[sflag:s3] =	ssyncadd.s32 $0xFFFFE178  }
0x1b3: {  	[hbm4b:s0+s2] =	stream.linear.scatter [tilespmem:s16], [sflag:$0x7], $0x1E88, $0x38;
	[tilespmem:$0xF800] =	vst v63  }
0x1b4: {  	_ =	swait.ge [sflag:s3], $0x1E88  }
0x1b5: {  	[sflag:s3] =	ssyncset.done $0x0  }
0x1b6: {  	s0 =	rddreg [dreg:$0x18];
	[sflag:s3] =	ssyncadd.s32 $0xFFFFE178  }
0x1b7: {  	[tilespmem:s2], [sflag:$0x7] =	stream.linear.gather [hbm4b:s0+s2], $0x1E88, $0x38;
	[tilespmem:$0xF800] =	vst v63  }
0x1b8: {  	_ =	swait.ge [sflag:s3], $0x1E88  }
0x1b9: {  	[sflag:s3] =	ssyncset.done $0x0  }
0x1ba: {  	[sflag:s3] =	ssyncadd.s32 $0xFFFFE178  }
0x1bb: {  	[tilespmem:s21], [sflag:$0x1] =	stream.indirect.gather [hbm4b:s5+s24], $0x1, s2, s24, $0xb8;
	[tilespmem:$0xF800] =	vst v63  }
0x1bc: {  	_ = 	snop  }
0x1bd: {  	[tilespmem:s18], [sflag:$0x2] =	stream.indirect.gather [hbm4b:s7+s24], $0x1, s2, s24, $0xb8;
	[tilespmem:$0xF800] =	vst v63  }
0x1be: {  	_ = 	snop  }
0x1bf: {  	[tilespmem:s16], [sflag:$0x3] =	stream.indirect.gather [hbm4b:s10+s24], $0x1, s2, s24, $0xb8;
	[tilespmem:$0xF800] =	vst v63  }
0x1c0: {  	_ =	swait.ge [sflag:s20], $0x1E88  }
0x1c1: {  	[sflag:s20] =	ssyncset.done $0x0  }
0x1c2: {  	[sflag:s20] =	ssyncadd.s32 $0xFFFFE178  }
0x1c3: {  	_ =	swait.ge [sflag:s19], $0x1E88  }
0x1c4: {  	[sflag:s19] =	ssyncset.done $0x0  }
0x1c5: {  	[sflag:s19] =	ssyncadd.s32 $0xFFFFE178  }
0x1c6: {  	_ =	swait.ge [sflag:s17], $0x1E88  }
0x1c7: {  	[sflag:s17] =	ssyncset.done $0x0  }
0x1c8: {  	[sflag:s17] =	ssyncadd.s32 $0xFFFFE178  }
0x1c9: {  	[hbm4b:s26+s2] =	stream.linear.scatter [tilespmem:s12], [sflag:$0x7], $0x1E88, $0x38;
	[tilespmem:$0xF800] =	vst v63  }
0x1ca: {  	_ =	swait.ge [sflag:s3], $0x1E88  }
0x1cb: {  	[sflag:s3] =	ssyncset.done $0x0  }
0x1cc: {  	[sflag:s3] =	ssyncadd.s32 $0xFFFFE178  }
0x1cd: {  	[hbm4b:s25+s2] =	stream.linear.scatter [tilespmem:s11], [sflag:$0x7], $0x1E88, $0x38;
	[tilespmem:$0xF800] =	vst v63  }
0x1ce: {  	_ =	swait.ge [sflag:s3], $0x1E88  }
0x1cf: {  	[sflag:s3] =	ssyncset.done $0x0  }
0x1d0: {  	[sflag:s3] =	ssyncadd.s32 $0xFFFFE178  }
0x1d1: {  	[hbm4b:s23+s2] =	stream.linear.scatter [tilespmem:s9], [sflag:$0x7], $0x1E88, $0x38;
	[tilespmem:$0xF800] =	vst v63  }
0x1d2: {  	_ =	swait.ge [sflag:s3], $0x1E88  }
0x1d3: {  	[sflag:s3] =	ssyncset.done $0x0  }
0x1d4: {  	[sflag:s3] =	ssyncadd.s32 $0xFFFFE178  }
0x1d5: {  	[tilespmem:s28], [sflag:$0x7] =	stream.linear.gather [hbm4b:s22+s2], $0x1E88, $0x38;
	[tilespmem:$0xF800] =	vst v63  }
0x1d6: {  	_ =	swait.ge [sflag:s3], $0x1E88  }
0x1d7: {  	[sflag:s3] =	ssyncset.done $0x0  }
0x1d8: {  	[sflag:s3] =	ssyncadd.s32 $0xFFFFE178  }
0x1d9: {  	[tilespmem:s12], [sflag:$0x4] =	stream.indirect.gather [hbm4b:s5+s24], $0x1, s28, s24, $0xb8;
	[tilespmem:$0xF800] =	vst v63  }
0x1da: {  	_ = 	snop  }
0x1db: {  	[tilespmem:s11], [sflag:$0x5] =	stream.indirect.gather [hbm4b:s7+s24], $0x1, s28, s24, $0xb8;
	[tilespmem:$0xF800] =	vst v63  }
0x1dc: {  	_ = 	snop  }
0x1dd: {  	[tilespmem:s9], [sflag:$0x6] =	stream.indirect.gather [hbm4b:s10+s24], $0x1, s28, s24, $0xb8;
	[tilespmem:$0xF800] =	vst v63  }
0x1de: {  	_ =	swait.ge [sflag:s31], $0x1E88  }
0x1df: {  	[sflag:s31] =	ssyncset.done $0x0  }
0x1e0: {  	[sflag:s31] =	ssyncadd.s32 $0xFFFFE178  }
0x1e1: {  	_ =	swait.ge [sflag:s30], $0x1E88  }
0x1e2: {  	[sflag:s30] =	ssyncset.done $0x0  }
0x1e3: {  	[sflag:s30] =	ssyncadd.s32 $0xFFFFE178  }
0x1e4: {  	_ =	swait.ge [sflag:s29], $0x1E88  }
0x1e5: {  	[sflag:s29] =	ssyncset.done $0x0  }
0x1e6: {  	[sflag:s29] =	ssyncadd.s32 $0xFFFFE178  }
0x1e7: {  	[hbm4b:s15+s2] =	stream.linear.scatter [tilespmem:s21], [sflag:$0x7], $0x1E88, $0x38;
	[tilespmem:$0xF800] =	vst v63  }
0x1e8: {  	_ =	swait.ge [sflag:s3], $0x1E88  }
0x1e9: {  	[sflag:s3] =	ssyncset.done $0x0  }
0x1ea: {  	[sflag:s3] =	ssyncadd.s32 $0xFFFFE178  }
0x1eb: {  	[hbm4b:s14+s2] =	stream.linear.scatter [tilespmem:s18], [sflag:$0x7], $0x1E88, $0x38;
	[tilespmem:$0xF800] =	vst v63  }
0x1ec: {  	_ =	swait.ge [sflag:s3], $0x1E88  }
0x1ed: {  	[sflag:s3] =	ssyncset.done $0x0  }
0x1ee: {  	[sflag:s3] =	ssyncadd.s32 $0xFFFFE178  }
0x1ef: {  	[hbm4b:s13+s2] =	stream.linear.scatter [tilespmem:s16], [sflag:$0x7], $0x1E88, $0x38;
	[tilespmem:$0xF800] =	vst v63  }
0x1f0: {  	_ =	swait.ge [sflag:s3], $0x1E88  }
0x1f1: {  	[sflag:s3] =	ssyncset.done $0x0  }
0x1f2: {  	[sflag:s3] =	ssyncadd.s32 $0xFFFFE178  }
0x1f3: {  	_ =	swait.ge [sflag:s20], $0x1E88  }
0x1f4: {  	[sflag:s20] =	ssyncset.done $0x0  }
0x1f5: {  	[sflag:s20] =	ssyncadd.s32 $0xFFFFE178  }
0x1f6: {  	_ =	swait.ge [sflag:s19], $0x1E88  }
0x1f7: {  	[sflag:s19] =	ssyncset.done $0x0  }
0x1f8: {  	[sflag:s19] =	ssyncadd.s32 $0xFFFFE178  }
0x1f9: {  	_ =	swait.ge [sflag:s17], $0x1E88  }
0x1fa: {  	[sflag:s17] =	ssyncset.done $0x0  }
0x1fb: {  	[sflag:s17] =	ssyncadd.s32 $0xFFFFE178  }
0x1fc: {  	[hbm4b:s8+s2] =	stream.linear.scatter [tilespmem:s12], [sflag:$0x7], $0x1E88, $0x38;
	[tilespmem:$0xF800] =	vst v63  }
0x1fd: {  	_ =	swait.ge [sflag:s3], $0x1E88  }
0x1fe: {  	[sflag:s3] =	ssyncset.done $0x0  }
0x1ff: {  	[sflag:s3] =	ssyncadd.s32 $0xFFFFE178  }
0x200: {  	[hbm4b:s6+s2] =	stream.linear.scatter [tilespmem:s11], [sflag:$0x7], $0x1E88, $0x38;
	[tilespmem:$0xF800] =	vst v63  }
0x201: {  	p1 =	sne.s32 s1, $0x1;
	_ =	swait.ge [sflag:s3], $0x1E88  }
.Ltmp2:
0x202: {  	[sflag:s3] =	ssyncset.done $0x0;
	(pc) =	sbr.rel @p1 .LBB2_2-.Ltmp2, $4  }
0x203: {  	[sflag:s3] =	ssyncadd.s32 $0xFFFFE178  }
0x204: {  	[hbm4b:s4+s2] =	stream.linear.scatter [tilespmem:s9], [sflag:$0x7], $0x1E88, $0x38;
	[tilespmem:$0xF800] =	vst v63  }
0x205: {  	_ =	swait.ge [sflag:s3], $0x1E88  }
0x206: {  	s1 =	sadd.s32 $0xFFFFFFFF, s1;
	s0 =	rddreg [dreg:$0x3];
	[sflag:s3] =	ssyncset.done $0x0  }
.LBB2_3:
0x207: {  	[sflag:s3] =	ssyncadd.s32 @p0 $0xFFFFE178  }
0x208: {  	[tilespmem:s2], [sflag:$0x7] =	stream.linear.gather [hbm4b:s0+s2], $0x1E88, $0x38;
	[tilespmem:$0xF800] =	vst v63  }
0x209: {  	_ =	swait.ge [sflag:s3], $0x1E88  }
0x20a: {  	[sflag:s3] =	ssyncset.done $0x0  }
0x20b: {  	[sflag:s3] =	ssyncadd.s32 $0xFFFFE178  }
0x20c: {  	[tilespmem:s21], [sflag:$0x1] =	stream.indirect.gather [hbm4b:s5+s24], $0x1, s2, s24, $0xb8;
	[tilespmem:$0xF800] =	vst v63  }
0x20d: {  	_ = 	snop  }
0x20e: {  	[tilespmem:s18], [sflag:$0x2] =	stream.indirect.gather [hbm4b:s7+s24], $0x1, s2, s24, $0xb8;
	[tilespmem:$0xF800] =	vst v63  }
0x20f: {  	_ = 	snop  }
0x210: {  	[tilespmem:s16], [sflag:$0x3] =	stream.indirect.gather [hbm4b:s10+s24], $0x1, s2, s24, $0xb8;
	[tilespmem:$0xF800] =	vst v63  }
0x211: {  	s1 =	rddreg [dreg:$0x4]  }
0x212: {  	[tilespmem:s28], [sflag:$0x7] =	stream.linear.gather [hbm4b:s1+s2], $0x1E88, $0x38;
	[tilespmem:$0xF800] =	vst v63  }
0x213: {  	_ =	swait.ge [sflag:s3], $0x1E88  }
0x214: {  	[sflag:s3] =	ssyncset.done $0x0  }
0x215: {  	[sflag:s3] =	ssyncadd.s32 $0xFFFFE178  }
0x216: {  	[tilespmem:s12], [sflag:$0x4] =	stream.indirect.gather [hbm4b:s5+s24], $0x1, s28, s24, $0xb8;
	[tilespmem:$0xF800] =	vst v63  }
0x217: {  	_ = 	snop  }
0x218: {  	[tilespmem:s11], [sflag:$0x5] =	stream.indirect.gather [hbm4b:s7+s24], $0x1, s28, s24, $0xb8;
	[tilespmem:$0xF800] =	vst v63  }
0x219: {  	_ = 	snop  }
0x21a: {  	[tilespmem:s9], [sflag:$0x6] =	stream.indirect.gather [hbm4b:s10+s24], $0x1, s28, s24, $0xb8;
	[tilespmem:$0xF800] =	vst v63  }
0x21b: {  	_ =	swait.ge [sflag:s31], $0x1E88  }
0x21c: {  	[sflag:s31] =	ssyncset.done $0x0  }
0x21d: {  	[sflag:s31] =	ssyncadd.s32 $0xFFFFE178  }
0x21e: {  	_ =	swait.ge [sflag:s30], $0x1E88  }
0x21f: {  	[sflag:s30] =	ssyncset.done $0x0  }
0x220: {  	[sflag:s30] =	ssyncadd.s32 $0xFFFFE178  }
0x221: {  	_ =	swait.ge [sflag:s29], $0x1E88  }
0x222: {  	[sflag:s29] =	ssyncset.done $0x0  }
0x223: {  	s1 =	rddreg [dreg:$0x5];
	[sflag:s29] =	ssyncadd.s32 $0xFFFFE178  }
0x224: {  	[hbm4b:s1+s2] =	stream.linear.scatter [tilespmem:s21], [sflag:$0x7], $0x1E88, $0x38;
	[tilespmem:$0xF800] =	vst v63  }
0x225: {  	_ =	swait.ge [sflag:s3], $0x1E88  }
0x226: {  	[sflag:s3] =	ssyncset.done $0x0  }
0x227: {  	s1 =	rddreg [dreg:$0x6];
	[sflag:s3] =	ssyncadd.s32 $0xFFFFE178  }
0x228: {  	[hbm4b:s1+s2] =	stream.linear.scatter [tilespmem:s18], [sflag:$0x7], $0x1E88, $0x38;
	[tilespmem:$0xF800] =	vst v63  }
0x229: {  	_ =	swait.ge [sflag:s3], $0x1E88  }
0x22a: {  	[sflag:s3] =	ssyncset.done $0x0  }
0x22b: {  	s1 =	rddreg [dreg:$0x7];
	[sflag:s3] =	ssyncadd.s32 $0xFFFFE178  }
0x22c: {  	[hbm4b:s1+s2] =	stream.linear.scatter [tilespmem:s16], [sflag:$0x7], $0x1E88, $0x38;
	[tilespmem:$0xF800] =	vst v63  }
0x22d: {  	_ =	swait.ge [sflag:s3], $0x1E88  }
0x22e: {  	[sflag:s3] =	ssyncset.done $0x0  }
0x22f: {  	s1 =	rddreg [dreg:$0x8];
	[sflag:s3] =	ssyncadd.s32 $0xFFFFE178  }
0x230: {  	[tilespmem:s2], [sflag:$0x7] =	stream.linear.gather [hbm4b:s1+s2], $0x1E88, $0x38;
	[tilespmem:$0xF800] =	vst v63  }
0x231: {  	_ =	swait.ge [sflag:s3], $0x1E88  }
0x232: {  	[sflag:s3] =	ssyncset.done $0x0  }
0x233: {  	[sflag:s3] =	ssyncadd.s32 $0xFFFFE178  }
0x234: {  	[tilespmem:s21], [sflag:$0x1] =	stream.indirect.gather [hbm4b:s5+s24], $0x1, s2, s24, $0xb8;
	[tilespmem:$0xF800] =	vst v63  }
0x235: {  	_ = 	snop  }
0x236: {  	[tilespmem:s18], [sflag:$0x2] =	stream.indirect.gather [hbm4b:s7+s24], $0x1, s2, s24, $0xb8;
	[tilespmem:$0xF800] =	vst v63  }
0x237: {  	_ = 	snop  }
0x238: {  	[tilespmem:s16], [sflag:$0x3] =	stream.indirect.gather [hbm4b:s10+s24], $0x1, s2, s24, $0xb8;
	[tilespmem:$0xF800] =	vst v63  }
0x239: {  	_ =	swait.ge [sflag:s20], $0x1E88  }
0x23a: {  	[sflag:s20] =	ssyncset.done $0x0  }
0x23b: {  	[sflag:s20] =	ssyncadd.s32 $0xFFFFE178  }
0x23c: {  	_ =	swait.ge [sflag:s19], $0x1E88  }
0x23d: {  	[sflag:s19] =	ssyncset.done $0x0  }
0x23e: {  	[sflag:s19] =	ssyncadd.s32 $0xFFFFE178  }
0x23f: {  	_ =	swait.ge [sflag:s17], $0x1E88  }
0x240: {  	[sflag:s17] =	ssyncset.done $0x0  }
0x241: {  	s1 =	rddreg [dreg:$0x9];
	[sflag:s17] =	ssyncadd.s32 $0xFFFFE178  }
0x242: {  	[hbm4b:s1+s2] =	stream.linear.scatter [tilespmem:s12], [sflag:$0x7], $0x1E88, $0x38;
	[tilespmem:$0xF800] =	vst v63  }
0x243: {  	_ =	swait.ge [sflag:s3], $0x1E88  }
0x244: {  	[sflag:s3] =	ssyncset.done $0x0  }
0x245: {  	s1 =	rddreg [dreg:$0xa];
	[sflag:s3] =	ssyncadd.s32 $0xFFFFE178  }
0x246: {  	[hbm4b:s1+s2] =	stream.linear.scatter [tilespmem:s11], [sflag:$0x7], $0x1E88, $0x38;
	[tilespmem:$0xF800] =	vst v63  }
0x247: {  	_ =	swait.ge [sflag:s3], $0x1E88  }
0x248: {  	[sflag:s3] =	ssyncset.done $0x0  }
0x249: {  	s1 =	rddreg [dreg:$0xb];
	[sflag:s3] =	ssyncadd.s32 $0xFFFFE178  }
0x24a: {  	[hbm4b:s1+s2] =	stream.linear.scatter [tilespmem:s9], [sflag:$0x7], $0x1E88, $0x38;
	[tilespmem:$0xF800] =	vst v63  }
0x24b: {  	_ =	swait.ge [sflag:s3], $0x1E88  }
0x24c: {  	[sflag:s3] =	ssyncset.done $0x0  }
0x24d: {  	s1 =	rddreg [dreg:$0xc];
	[sflag:s3] =	ssyncadd.s32 $0xFFFFE178  }
0x24e: {  	[tilespmem:s28], [sflag:$0x7] =	stream.linear.gather [hbm4b:s1+s2], $0x1E88, $0x38;
	[tilespmem:$0xF800] =	vst v63  }
0x24f: {  	_ =	swait.ge [sflag:s3], $0x1E88  }
0x250: {  	[sflag:s3] =	ssyncset.done $0x0  }
0x251: {  	[sflag:s3] =	ssyncadd.s32 $0xFFFFE178  }
0x252: {  	[tilespmem:s12], [sflag:$0x4] =	stream.indirect.gather [hbm4b:s5+s24], $0x1, s28, s24, $0xb8;
	[tilespmem:$0xF800] =	vst v63  }
0x253: {  	_ = 	snop  }
0x254: {  	[tilespmem:s11], [sflag:$0x5] =	stream.indirect.gather [hbm4b:s7+s24], $0x1, s28, s24, $0xb8;
	[tilespmem:$0xF800] =	vst v63  }
0x255: {  	_ = 	snop  }
0x256: {  	[tilespmem:s9], [sflag:$0x6] =	stream.indirect.gather [hbm4b:s10+s24], $0x1, s28, s24, $0xb8;
	[tilespmem:$0xF800] =	vst v63  }
0x257: {  	_ =	swait.ge [sflag:s31], $0x1E88  }
0x258: {  	[sflag:s31] =	ssyncset.done $0x0  }
0x259: {  	[sflag:s31] =	ssyncadd.s32 $0xFFFFE178  }
0x25a: {  	_ =	swait.ge [sflag:s30], $0x1E88  }
0x25b: {  	[sflag:s30] =	ssyncset.done $0x0  }
0x25c: {  	[sflag:s30] =	ssyncadd.s32 $0xFFFFE178  }
0x25d: {  	_ =	swait.ge [sflag:s29], $0x1E88  }
0x25e: {  	[sflag:s29] =	ssyncset.done $0x0  }
0x25f: {  	s1 =	rddreg [dreg:$0xd];
	[sflag:s29] =	ssyncadd.s32 $0xFFFFE178  }
0x260: {  	[hbm4b:s1+s2] =	stream.linear.scatter [tilespmem:s21], [sflag:$0x7], $0x1E88, $0x38;
	[tilespmem:$0xF800] =	vst v63  }
0x261: {  	_ =	swait.ge [sflag:s3], $0x1E88  }
0x262: {  	[sflag:s3] =	ssyncset.done $0x0  }
0x263: {  	s1 =	rddreg [dreg:$0xe];
	[sflag:s3] =	ssyncadd.s32 $0xFFFFE178  }
0x264: {  	[hbm4b:s1+s2] =	stream.linear.scatter [tilespmem:s18], [sflag:$0x7], $0x1E88, $0x38;
	[tilespmem:$0xF800] =	vst v63  }
0x265: {  	_ =	swait.ge [sflag:s3], $0x1E88  }
0x266: {  	[sflag:s3] =	ssyncset.done $0x0  }
0x267: {  	s1 =	rddreg [dreg:$0xf];
	[sflag:s3] =	ssyncadd.s32 $0xFFFFE178  }
0x268: {  	[hbm4b:s1+s2] =	stream.linear.scatter [tilespmem:s16], [sflag:$0x7], $0x1E88, $0x38;
	[tilespmem:$0xF800] =	vst v63  }
0x269: {  	_ =	swait.ge [sflag:s3], $0x1E88  }
0x26a: {  	[sflag:s3] =	ssyncset.done $0x0  }
0x26b: {  	s1 =	rddreg [dreg:$0x10];
	[sflag:s3] =	ssyncadd.s32 $0xFFFFE178  }
0x26c: {  	[tilespmem:s2], [sflag:$0x7] =	stream.linear.gather [hbm4b:s1+s2], $0x1E88, $0x38;
	[tilespmem:$0xF800] =	vst v63  }
0x26d: {  	_ =	swait.ge [sflag:s3], $0x1E88  }
0x26e: {  	[sflag:s3] =	ssyncset.done $0x0  }
0x26f: {  	[sflag:s3] =	ssyncadd.s32 $0xFFFFE178  }
0x270: {  	[tilespmem:s21], [sflag:$0x1] =	stream.indirect.gather [hbm4b:s5+s24], $0x1, s2, s24, $0xb8;
	[tilespmem:$0xF800] =	vst v63  }
0x271: {  	_ = 	snop  }
0x272: {  	[tilespmem:s18], [sflag:$0x2] =	stream.indirect.gather [hbm4b:s7+s24], $0x1, s2, s24, $0xb8;
	[tilespmem:$0xF800] =	vst v63  }
0x273: {  	_ = 	snop  }
0x274: {  	[tilespmem:s16], [sflag:$0x3] =	stream.indirect.gather [hbm4b:s10+s24], $0x1, s2, s24, $0xb8;
	[tilespmem:$0xF800] =	vst v63  }
0x275: {  	_ =	swait.ge [sflag:s20], $0x1E88  }
0x276: {  	[sflag:s20] =	ssyncset.done $0x0  }
0x277: {  	[sflag:s20] =	ssyncadd.s32 $0xFFFFE178  }
0x278: {  	_ =	swait.ge [sflag:s19], $0x1E88  }
0x279: {  	[sflag:s19] =	ssyncset.done $0x0  }
0x27a: {  	[sflag:s19] =	ssyncadd.s32 $0xFFFFE178  }
0x27b: {  	_ =	swait.ge [sflag:s17], $0x1E88  }
0x27c: {  	[sflag:s17] =	ssyncset.done $0x0  }
0x27d: {  	s1 =	rddreg [dreg:$0x11];
	[sflag:s17] =	ssyncadd.s32 $0xFFFFE178  }
0x27e: {  	[hbm4b:s1+s2] =	stream.linear.scatter [tilespmem:s12], [sflag:$0x7], $0x1E88, $0x38;
	[tilespmem:$0xF800] =	vst v63  }
0x27f: {  	_ =	swait.ge [sflag:s3], $0x1E88  }
0x280: {  	[sflag:s3] =	ssyncset.done $0x0  }
0x281: {  	s1 =	rddreg [dreg:$0x12];
	[sflag:s3] =	ssyncadd.s32 $0xFFFFE178  }
0x282: {  	[hbm4b:s1+s2] =	stream.linear.scatter [tilespmem:s11], [sflag:$0x7], $0x1E88, $0x38;
	[tilespmem:$0xF800] =	vst v63  }
0x283: {  	_ =	swait.ge [sflag:s3], $0x1E88  }
0x284: {  	[sflag:s3] =	ssyncset.done $0x0  }
0x285: {  	s1 =	rddreg [dreg:$0x13];
	[sflag:s3] =	ssyncadd.s32 $0xFFFFE178  }
0x286: {  	[hbm4b:s1+s2] =	stream.linear.scatter [tilespmem:s9], [sflag:$0x7], $0x1E88, $0x38;
	[tilespmem:$0xF800] =	vst v63  }
0x287: {  	_ =	swait.ge [sflag:s3], $0x1E88  }
0x288: {  	[sflag:s3] =	ssyncset.done $0x0  }
0x289: {  	s1 =	rddreg [dreg:$0x14];
	[sflag:s3] =	ssyncadd.s32 $0xFFFFE178  }
0x28a: {  	[tilespmem:s28], [sflag:$0x7] =	stream.linear.gather [hbm4b:s1+s2], $0x1E88, $0x38;
	[tilespmem:$0xF800] =	vst v63  }
0x28b: {  	_ =	swait.ge [sflag:s3], $0x1E88  }
0x28c: {  	[sflag:s3] =	ssyncset.done $0x0  }
0x28d: {  	[sflag:s3] =	ssyncadd.s32 $0xFFFFE178  }
0x28e: {  	[tilespmem:s12], [sflag:$0x4] =	stream.indirect.gather [hbm4b:s5+s24], $0x1, s28, s24, $0xb8;
	[tilespmem:$0xF800] =	vst v63  }
0x28f: {  	_ = 	snop  }
0x290: {  	[tilespmem:s11], [sflag:$0x5] =	stream.indirect.gather [hbm4b:s7+s24], $0x1, s28, s24, $0xb8;
	[tilespmem:$0xF800] =	vst v63  }
0x291: {  	_ = 	snop  }
0x292: {  	[tilespmem:s9], [sflag:$0x6] =	stream.indirect.gather [hbm4b:s10+s24], $0x1, s28, s24, $0xb8;
	[tilespmem:$0xF800] =	vst v63  }
0x293: {  	_ =	swait.ge [sflag:s31], $0x1E88  }
0x294: {  	[sflag:s31] =	ssyncset.done $0x0  }
0x295: {  	[sflag:s31] =	ssyncadd.s32 $0xFFFFE178  }
0x296: {  	_ =	swait.ge [sflag:s30], $0x1E88  }
0x297: {  	[sflag:s30] =	ssyncset.done $0x0  }
0x298: {  	[sflag:s30] =	ssyncadd.s32 $0xFFFFE178  }
0x299: {  	_ =	swait.ge [sflag:s29], $0x1E88  }
0x29a: {  	[sflag:s29] =	ssyncset.done $0x0  }
0x29b: {  	s1 =	rddreg [dreg:$0x15];
	[sflag:s29] =	ssyncadd.s32 $0xFFFFE178  }
0x29c: {  	[hbm4b:s1+s2] =	stream.linear.scatter [tilespmem:s21], [sflag:$0x7], $0x1E88, $0x38;
	[tilespmem:$0xF800] =	vst v63  }
0x29d: {  	_ =	swait.ge [sflag:s3], $0x1E88  }
0x29e: {  	[sflag:s3] =	ssyncset.done $0x0  }
0x29f: {  	s1 =	rddreg [dreg:$0x16];
	[sflag:s3] =	ssyncadd.s32 $0xFFFFE178  }
0x2a0: {  	[hbm4b:s1+s2] =	stream.linear.scatter [tilespmem:s18], [sflag:$0x7], $0x1E88, $0x38;
	[tilespmem:$0xF800] =	vst v63  }
0x2a1: {  	_ =	swait.ge [sflag:s3], $0x1E88  }
0x2a2: {  	[sflag:s3] =	ssyncset.done $0x0  }
0x2a3: {  	s1 =	rddreg [dreg:$0x17];
	[sflag:s3] =	ssyncadd.s32 $0xFFFFE178  }
0x2a4: {  	[hbm4b:s1+s2] =	stream.linear.scatter [tilespmem:s16], [sflag:$0x7], $0x1E88, $0x38;
	[tilespmem:$0xF800] =	vst v63  }
0x2a5: {  	_ =	swait.ge [sflag:s3], $0x1E88  }
0x2a6: {  	[sflag:s3] =	ssyncset.done $0x0  }
0x2a7: {  	s1 =	rddreg [dreg:$0x18];
	[sflag:s3] =	ssyncadd.s32 $0xFFFFE178  }
0x2a8: {  	[tilespmem:s2], [sflag:$0x7] =	stream.linear.gather [hbm4b:s1+s2], $0x1E88, $0x38;
	[tilespmem:$0xF800] =	vst v63  }
0x2a9: {  	_ =	swait.ge [sflag:s3], $0x1E88  }
0x2aa: {  	[sflag:s3] =	ssyncset.done $0x0  }
0x2ab: {  	[sflag:s3] =	ssyncadd.s32 $0xFFFFE178  }
0x2ac: {  	[tilespmem:s21], [sflag:$0x1] =	stream.indirect.gather [hbm4b:s5+s24], $0x1, s2, s24, $0xb8;
	[tilespmem:$0xF800] =	vst v63  }
0x2ad: {  	_ = 	snop  }
0x2ae: {  	[tilespmem:s18], [sflag:$0x2] =	stream.indirect.gather [hbm4b:s7+s24], $0x1, s2, s24, $0xb8;
	[tilespmem:$0xF800] =	vst v63  }
0x2af: {  	_ = 	snop  }
0x2b0: {  	[tilespmem:s16], [sflag:$0x3] =	stream.indirect.gather [hbm4b:s10+s24], $0x1, s2, s24, $0xb8;
	[tilespmem:$0xF800] =	vst v63  }
0x2b1: {  	_ =	swait.ge [sflag:s20], $0x1E88  }
0x2b2: {  	[sflag:s20] =	ssyncset.done $0x0  }
0x2b3: {  	[sflag:s20] =	ssyncadd.s32 $0xFFFFE178  }
0x2b4: {  	_ =	swait.ge [sflag:s19], $0x1E88  }
0x2b5: {  	[sflag:s19] =	ssyncset.done $0x0  }
0x2b6: {  	[sflag:s19] =	ssyncadd.s32 $0xFFFFE178  }
0x2b7: {  	_ =	swait.ge [sflag:s17], $0x1E88  }
0x2b8: {  	[sflag:s17] =	ssyncset.done $0x0  }
0x2b9: {  	[sflag:s17] =	ssyncadd.s32 $0xFFFFE178  }
0x2ba: {  	[hbm4b:s26+s2] =	stream.linear.scatter [tilespmem:s12], [sflag:$0x7], $0x1E88, $0x38;
	[tilespmem:$0xF800] =	vst v63  }
0x2bb: {  	_ =	swait.ge [sflag:s3], $0x1E88  }
0x2bc: {  	[sflag:s3] =	ssyncset.done $0x0  }
0x2bd: {  	[sflag:s3] =	ssyncadd.s32 $0xFFFFE178  }
0x2be: {  	[hbm4b:s25+s2] =	stream.linear.scatter [tilespmem:s11], [sflag:$0x7], $0x1E88, $0x38;
	[tilespmem:$0xF800] =	vst v63  }
0x2bf: {  	_ =	swait.ge [sflag:s3], $0x1E88  }
0x2c0: {  	[sflag:s3] =	ssyncset.done $0x0  }
0x2c1: {  	[sflag:s3] =	ssyncadd.s32 $0xFFFFE178  }
0x2c2: {  	[hbm4b:s23+s2] =	stream.linear.scatter [tilespmem:s9], [sflag:$0x7], $0x1E88, $0x38;
	[tilespmem:$0xF800] =	vst v63  }
0x2c3: {  	_ =	swait.ge [sflag:s3], $0x1E88  }
0x2c4: {  	[sflag:s3] =	ssyncset.done $0x0  }
0x2c5: {  	[sflag:s3] =	ssyncadd.s32 $0xFFFFE178  }
0x2c6: {  	[tilespmem:s28], [sflag:$0x7] =	stream.linear.gather [hbm4b:s22+s2], $0x1E88, $0x38;
	[tilespmem:$0xF800] =	vst v63  }
0x2c7: {  	_ =	swait.ge [sflag:s3], $0x1E88  }
0x2c8: {  	[sflag:s3] =	ssyncset.done $0x0  }
0x2c9: {  	[sflag:s3] =	ssyncadd.s32 $0xFFFFE178  }
0x2ca: {  	[tilespmem:s12], [sflag:$0x4] =	stream.indirect.gather [hbm4b:s5+s24], $0x1, s28, s24, $0xb8;
	[tilespmem:$0xF800] =	vst v63  }
0x2cb: {  	_ = 	snop  }
0x2cc: {  	[tilespmem:s11], [sflag:$0x5] =	stream.indirect.gather [hbm4b:s7+s24], $0x1, s28, s24, $0xb8;
	[tilespmem:$0xF800] =	vst v63  }
0x2cd: {  	_ = 	snop  }
0x2ce: {  	[tilespmem:s9], [sflag:$0x6] =	stream.indirect.gather [hbm4b:s10+s24], $0x1, s28, s24, $0xb8;
	[tilespmem:$0xF800] =	vst v63  }
0x2cf: {  	_ =	swait.ge [sflag:s31], $0x1E88  }
0x2d0: {  	[sflag:s31] =	ssyncset.done $0x0  }
0x2d1: {  	[sflag:s31] =	ssyncadd.s32 $0xFFFFE178  }
0x2d2: {  	_ =	swait.ge [sflag:s30], $0x1E88  }
0x2d3: {  	[sflag:s30] =	ssyncset.done $0x0  }
0x2d4: {  	[sflag:s30] =	ssyncadd.s32 $0xFFFFE178  }
0x2d5: {  	_ =	swait.ge [sflag:s29], $0x1E88  }
0x2d6: {  	[sflag:s29] =	ssyncset.done $0x0  }
0x2d7: {  	[sflag:s29] =	ssyncadd.s32 $0xFFFFE178  }
0x2d8: {  	[hbm4b:s15+s2] =	stream.linear.scatter [tilespmem:s21], [sflag:$0x7], $0x1E88, $0x38;
	[tilespmem:$0xF800] =	vst v63  }
0x2d9: {  	_ =	swait.ge [sflag:s3], $0x1E88  }
0x2da: {  	[sflag:s3] =	ssyncset.done $0x0  }
0x2db: {  	[sflag:s3] =	ssyncadd.s32 $0xFFFFE178  }
0x2dc: {  	[hbm4b:s14+s2] =	stream.linear.scatter [tilespmem:s18], [sflag:$0x7], $0x1E88, $0x38;
	[tilespmem:$0xF800] =	vst v63  }
0x2dd: {  	_ =	swait.ge [sflag:s3], $0x1E88  }
0x2de: {  	[sflag:s3] =	ssyncset.done $0x0  }
0x2df: {  	[sflag:s3] =	ssyncadd.s32 $0xFFFFE178  }
0x2e0: {  	[hbm4b:s13+s2] =	stream.linear.scatter [tilespmem:s16], [sflag:$0x7], $0x1E88, $0x38;
	[tilespmem:$0xF800] =	vst v63  }
0x2e1: {  	_ =	swait.ge [sflag:s3], $0x1E88  }
0x2e2: {  	[sflag:s3] =	ssyncset.done $0x0  }
0x2e3: {  	[sflag:s3] =	ssyncadd.s32 $0xFFFFE178  }
0x2e4: {  	_ =	swait.ge [sflag:s20], $0x1E88  }
0x2e5: {  	[sflag:s20] =	ssyncset.done $0x0  }
0x2e6: {  	[sflag:s20] =	ssyncadd.s32 $0xFFFFE178  }
0x2e7: {  	_ =	swait.ge [sflag:s19], $0x1E88  }
0x2e8: {  	[sflag:s19] =	ssyncset.done $0x0  }
0x2e9: {  	[sflag:s19] =	ssyncadd.s32 $0xFFFFE178  }
0x2ea: {  	_ =	swait.ge [sflag:s17], $0x1E88  }
0x2eb: {  	[sflag:s17] =	ssyncset.done $0x0  }
0x2ec: {  	[sflag:s17] =	ssyncadd.s32 $0xFFFFE178  }
0x2ed: {  	[hbm4b:s8+s2] =	stream.linear.scatter [tilespmem:s12], [sflag:$0x7], $0x1E88, $0x38;
	[tilespmem:$0xF800] =	vst v63  }
0x2ee: {  	_ =	swait.ge [sflag:s3], $0x1E88  }
0x2ef: {  	[sflag:s3] =	ssyncset.done $0x0  }
0x2f0: {  	[sflag:s3] =	ssyncadd.s32 $0xFFFFE178  }
0x2f1: {  	[hbm4b:s6+s2] =	stream.linear.scatter [tilespmem:s11], [sflag:$0x7], $0x1E88, $0x38;
	[tilespmem:$0xF800] =	vst v63  }
0x2f2: {  	_ =	swait.ge [sflag:s3], $0x1E88  }
0x2f3: {  	[sflag:s3] =	ssyncset.done $0x0  }
0x2f4: {  	[sflag:s3] =	ssyncadd.s32 $0xFFFFE178  }
0x2f5: {  	[hbm4b:s4+s2] =	stream.linear.scatter [tilespmem:s9], [sflag:$0x7], $0x1E88, $0x38;
	[tilespmem:$0xF800] =	vst v63  }
0x2f6: {  	_ =	swait.ge [sflag:s3], $0x1E88  }
0x2f7: {  	[sflag:s3] =	ssyncset.done $0x0  }
0x2f8: {  	[sflag:s3] =	ssyncadd.s32 $0xFFFFE178  }
0x2f9: {  	_ =	sfence.sel $0x180000  }
0x2fa: {  	[bflag:$0x0] =	sbarrier.arrive $0xFFFF  }
0x2fb: {  	_ =	strace $0x90000047  }
0x2fc: {  	s31 =	stileid.u32;
	[bflag:$0x2] =	sbarrier.arrive $0xFFFF  }
0x2fd: {  	p0 =	sne.s32 s31, $0x0;
	s0 =	rddreg [dreg:$0x2]  }
0x2fe: {  	s0 =	sadd.s32 @!p0 $0x100000, s0  }
0x2ff: {  	[sflag:s0] =	ssyncadd.tile.s32 @!p0 $0x1;
	_ =	shalt  }
.Lfunc_end2:
_tile_overlayer_lowered:
.L_overlay_start_2:
0x300: {  	(tag) =	ssettag $0x2  }
0x301: {  	s0 =	rddreg [dreg:$0x0];
	s2 =	stileid.u32  }
0x302: {  	s1 =	rddreg [dreg:$0x1];
	p0 =	sne.s32 s2, $0x0  }
0x303: {  	s3 =	rddreg [dreg:$0x2];
	[bflag:$0x3] =	sbarrier.arrive $0xFFFF;
	s2 =	simm.s32 @!p0 $0x1C07  }
0x304: {  	[timem:s3], [sflag:s2] =	dma.local @!p0 [hbm:s0], s1  }
0x305: {  	s0 =	simm.s32 @!p0 $0x7  }
0x306: {  	_ =	swait.ge @!p0 [sflag:s0], s1  }
0x307: {  	s1 =	ssub.s32 @!p0 $0x0, s1;
	[sflag:s0] =	ssyncset.done @!p0 $0x0  }
0x308: {  	[sflag:s0] =	ssyncadd.s32 @!p0 s1  }
0x309: {  	[bflag:$0x3] =	sbarrier.arrive $0xFFFF  }
0x30a: {  	_ =	shalt  }

</sc_bundles>
